<compile_context>
chip_gen: v7x
topology: tpu7x:2x2x1
jax: 0.10.2.dev20260603
libtpu: 0.0.44.dev20260713+nightly
codegen_flags: <defaults>
</compile_context>

<pallas_src>
import functools

import jax
import jax.numpy as jnp
from jax import lax
from jax.experimental import pallas as pl
from jax.experimental.pallas import tpu as pltpu
from jax.experimental.pallas import tpu_sc as plsc

_TN = 2048


def _tc_index_body(xh_ref, xn_ref, ke_ref, kn_ref, idx_ref):
    tn = xh_ref.shape[1]
    c = ke_ref.shape[1]
    dot = lax.dot_general(xh_ref[0], ke_ref[0], (((1,), (1,)), ((), ())),
                          preferred_element_type=jnp.float32)
    d2 = (xn_ref[0] - 2.0 * dot) + kn_ref[0]
    s = jnp.sqrt(jnp.maximum(d2, 0.0))
    m = jnp.min(s, axis=1, keepdims=True)
    iota = lax.broadcasted_iota(jnp.int32, (tn, c), 1)
    sel = jnp.where(s == m, iota, c)
    idx = jnp.min(sel, axis=1, keepdims=True)
    idx_ref[0] = idx.reshape(tn // 128, 128)


def _nearest_code_indices(xh, xn, key_embed, kn):
    h, n, d = xh.shape
    c = key_embed.shape[1]
    tn = _TN
    return pl.pallas_call(
        _tc_index_body,
        grid=(h, n // tn),
        in_specs=[
            pl.BlockSpec((1, tn, d), lambda hh, i: (hh, i, 0)),
            pl.BlockSpec((1, tn, 1), lambda hh, i: (hh, i, 0)),
            pl.BlockSpec((1, c, d), lambda hh, i: (hh, 0, 0)),
            pl.BlockSpec((1, 1, c), lambda hh, i: (hh, 0, 0)),
        ],
        out_specs=pl.BlockSpec((1, tn // 128, 128), lambda hh, i: (hh, i, 0)),
        out_shape=jax.ShapeDtypeStruct((h, n // 128, 128), jnp.int32),
    )(xh, xn, key_embed, kn)


def _sc_gather_values(values128, idx128, h, n, dv):
    info = plsc.get_sparse_core_info()
    nw = info.num_cores * info.num_subcores
    hpw = h // nw
    tab_rows = values128.shape[1]
    idx_rows = idx128.shape[1]
    out_rows = dv * n // 128
    ngroups = n // 16
    mesh = plsc.VectorSubcoreMesh(core_axis_name="c", subcore_axis_name="s")

    def body(tab_hbm, idx_hbm, out_hbm, tab_v, idx_v, out_v):
        wid = lax.axis_index("s") * info.num_cores + lax.axis_index("c")
        for hloc in range(hpw):
            head = wid * hpw + hloc
            pltpu.sync_copy(tab_hbm.at[head], tab_v)
            pltpu.sync_copy(idx_hbm.at[head], idx_v)

            def group(g, carry):
                ids = idx_v[g >> 3, pl.ds((g & 7) * 16, 16)]
                w0 = ids * dv
                orow0 = g >> 3
                ocol = (g & 7) * 16
                for j in range(dv):
                    w = w0 + j
                    v = plsc.load_gather(tab_v, [w >> 7, w & 127])
                    out_v[j * idx_rows + orow0, pl.ds(ocol, 16)] = v
                return carry

            lax.fori_loop(0, ngroups, group, 0)
            pltpu.sync_copy(out_v, out_hbm.at[head])

    return pl.kernel(
        body,
        out_type=jax.ShapeDtypeStruct((h, out_rows, 128), jnp.float32),
        mesh=mesh,
        compiler_params=pltpu.CompilerParams(use_tc_tiling_on_sc=False,
                                             needs_layout_passes=False),
        scratch_types=[
            pltpu.VMEM((tab_rows, 128), jnp.float32),
            pltpu.VMEM((idx_rows, 128), jnp.int32),
            pltpu.VMEM((out_rows, 128), jnp.float32),
        ],
    )(values128, idx128)


def kernel(x, mask, key_embed, values, key_optim):
    x = x.astype(jnp.float32)
    b, t, dim = x.shape
    h, c, d = key_embed.shape
    dv = values.shape[-1]
    n = b * t

    xh = jnp.transpose(x.reshape(b, t, h, d), (2, 0, 1, 3)).reshape(h, n, d)
    xn = jnp.sum(xh ** 2, axis=-1, keepdims=True)
    kn = jnp.sum(key_embed ** 2, axis=-1)[:, None, :]

    idx128 = _nearest_code_indices(xh, xn, key_embed, kn)

    values128 = values.reshape(h, c * dv // 128, 128)
    out = _sc_gather_values(values128, idx128, h, n, dv)
    out = jnp.transpose(out.reshape(h, dv, n), (2, 0, 1)).reshape(b, t, h * dv)
    return out

# --- scband reference (transcript-rebuilt; emitter-appended) ---
"""Pipeline reference for scband-discrete-key-value-bottleneck-78580721647694 (READ-ONLY COPY).

The authoritative reference and input builder live on the scoring server;
editing this copy changes nothing except your own understanding.
"""

import jax, jax.numpy as jnp
import numpy as np

H = 64
D = 12
C = 2048
DV = 12


def setup_inputs(seed: int = 0) -> dict:
    key = jax.random.key(seed)
    k1, k2, k3 = jax.random.split(key, 3)
    x = jax.random.normal(k1, (8, 256, 768), dtype=jnp.float32)
    mask = jnp.ones((8, 256), dtype=bool)
    # key_embed buffer: kaiming-uniform style init
    bound = float(np.sqrt(6.0 / (C * D)))
    key_embed = jax.random.uniform(k2, (H, C, D), minval=-bound, maxval=bound, dtype=jnp.float32)
    # values parameter: randn init as in torch module
    values = jax.random.normal(k3, (H, C, DV), dtype=jnp.float32)
    return {"x": x, "mask": mask, "key_embed": key_embed, "values": values, "key_optim": 0}


def _forward(x, key_embed, values):
    x = x.astype(jnp.float32)
    b, t, dim = x.shape
    h, c, d = key_embed.shape
    # rearrange 'b t (h d) -> h b t d'
    xh = jnp.transpose(x.reshape(b, t, h, d), (2, 0, 1, 3))
    # flatten 'h ... d -> h (...) d'
    flat = xh.reshape(h, b * t, d)
    # dist = -cdist(flat, key_embed, p=2)
    d2 = (jnp.sum(flat ** 2, axis=-1, keepdims=True)
          - 2.0 * jnp.einsum('hnd,hcd->hnc', flat, key_embed)
          + jnp.sum(key_embed ** 2, axis=-1)[:, None, :])
    dist = -jnp.sqrt(jnp.maximum(d2, 0.0))
    emb_ind = jnp.argmax(dist, axis=-1)  # (h, b*t)
    emb_ind = emb_ind.reshape(h, b, t)  # (h, b, t)
    # collect_embeddings: quantized[h, b, t] = key_embed[h, emb_ind[h, b, t]]
    quantized = key_embed[jnp.arange(h)[:, None, None], emb_ind]  # (h, b, t, d)
    # rearrange 'h b t d -> b t (h d)'
    quantized = jnp.transpose(quantized, (1, 2, 0, 3)).reshape(b, t, h * d)
    # emb_ind rearranged 'h b n -> b n h' then 'b n h -> b h n' == 'h b n -> b h n'
    mi = jnp.transpose(emb_ind, (1, 0, 2))  # (b, h, t)
    dv = values.shape[-1]
    # memories[b, h, n] = values[h, mi[b, h, n]]
    memories = values[jnp.arange(h)[None, :, None], mi]  # (b, h, t, dv)
    # rearrange 'b h n d -> b n h d' then mlp decoder: 'b n h d -> b n (h d)'
    memories = jnp.transpose(memories, (0, 2, 1, 3)).reshape(b, t, h * dv)
    return memories


def reference(x, mask, key_embed, values, key_optim):
    # encoder is None; key_optim is falsy -> return memories
    return _forward(x, key_embed, values)

if __name__ == "__main__":
    import jax
    _d = setup_inputs()
    print(jax.jit(kernel)(*tuple(_d.values())))

</pallas_src>

<mosaic_0001>
#map = affine_map<(d0, d1) -> (0, 0, 0)>
module attributes {stable_mosaic.version = 14 : i64} {
  func.func @body(%arg0: i32, %arg1: i32, %arg2: memref<64x192x128xf32, #tpu.memory_space<hbm>>, %arg3: memref<64x16x128xi32, #tpu.memory_space<hbm>>, %arg4: memref<64x192x128xf32, #tpu.memory_space<hbm>>, %arg5: memref<192x128xf32, #tpu.memory_space<vmem>>, %arg6: memref<16x128xi32, #tpu.memory_space<vmem>>, %arg7: memref<192x128xf32, #tpu.memory_space<vmem>>) attributes {dimension_semantics = [#tpu.dimension_semantics<core_parallel>, #tpu.dimension_semantics<subcore_parallel>], iteration_bounds = array<i64: 2, 16>, scalar_prefetch = 0 : i64, scratch_operands = 3 : i64, tpu.core_type = #tpu.core_type<sc_vector_subcore>, window_params = [{transform_indices = #map}, {transform_indices = #map}, {transform_indices = #map}]} {
    %mul3A = arith.constant 2 : i32
    %mul3A_0 = arith.muli %arg1, %mul3A : i32
    %add3A = arith.addi %mul3A_0, %arg0 : i32
    %mul3A_1 = arith.constant 2 : i32
    %mul3A_2 = arith.muli %add3A, %mul3A_1 : i32
    %add3A_3 = arith.constant 0 : i32
    %add3A_4 = arith.addi %mul3A_2, %add3A_3 : i32
    "tpu.region"() ({
      %run_scoped3A = tpu.sem_alloc : memref<!tpu.dma_semaphore, #tpu.memory_space<semaphore_mem>>
      %dma_start3A = arith.constant 0 : i32
      %dma_start3A_20 = arith.constant 0 : i32
      %dma_start3A_21 = tpu.memref_slice %arg2[%add3A_4, %dma_start3A, %dma_start3A_20] : memref<64x192x128xf32, #tpu.memory_space<hbm>> -> memref<1x192x128xf32, #tpu.memory_space<hbm>>
      %dma_start3A_22 = tpu.memref_squeeze %dma_start3A_21 : memref<1x192x128xf32, #tpu.memory_space<hbm>> -> memref<192x128xf32, #tpu.memory_space<hbm>>
      %dma_start3A_23 = arith.constant 0 : i32
      %dma_start3A_24 = arith.constant 0 : i32
      %dma_start3A_25 = tpu.memref_slice %arg2[%add3A_4, %dma_start3A_23, %dma_start3A_24] : memref<64x192x128xf32, #tpu.memory_space<hbm>> -> memref<1x192x128xf32, #tpu.memory_space<hbm>>
      %dma_start3A_26 = tpu.memref_squeeze %dma_start3A_25 : memref<1x192x128xf32, #tpu.memory_space<hbm>> -> memref<192x128xf32, #tpu.memory_space<hbm>>
      tpu.enqueue_dma source(%dma_start3A_26 : memref<192x128xf32, #tpu.memory_space<hbm>>) target(%arg5 : memref<192x128xf32, #tpu.memory_space<vmem>>) target_semaphore(%run_scoped3A : memref<!tpu.dma_semaphore, #tpu.memory_space<semaphore_mem>>)
      %dma_wait3A = arith.constant 0 : i32
      %dma_wait3A_27 = arith.constant 0 : i32
      %dma_wait3A_28 = tpu.memref_slice %arg2[%add3A_4, %dma_wait3A, %dma_wait3A_27] : memref<64x192x128xf32, #tpu.memory_space<hbm>> -> memref<1x192x128xf32, #tpu.memory_space<hbm>>
      %dma_wait3A_29 = tpu.memref_squeeze %dma_wait3A_28 : memref<1x192x128xf32, #tpu.memory_space<hbm>> -> memref<192x128xf32, #tpu.memory_space<hbm>>
      %dma_wait3A_30 = arith.constant 0 : i32
      %dma_wait3A_31 = arith.constant 0 : i32
      %dma_wait3A_32 = tpu.memref_slice %arg2[%add3A_4, %dma_wait3A_30, %dma_wait3A_31] : memref<64x192x128xf32, #tpu.memory_space<hbm>> -> memref<1x192x128xf32, #tpu.memory_space<hbm>>
      %dma_wait3A_33 = tpu.memref_squeeze %dma_wait3A_32 : memref<1x192x128xf32, #tpu.memory_space<hbm>> -> memref<192x128xf32, #tpu.memory_space<hbm>>
      tpu.wait_dma2 semaphore(%run_scoped3A : memref<!tpu.dma_semaphore, #tpu.memory_space<semaphore_mem>>) src(%dma_wait3A_33 : memref<192x128xf32, #tpu.memory_space<hbm>>) dst(%arg5 : memref<192x128xf32, #tpu.memory_space<vmem>>)
      tpu.yield
    }) : () -> ()
    "tpu.region"() ({
      %run_scoped3A = tpu.sem_alloc : memref<!tpu.dma_semaphore, #tpu.memory_space<semaphore_mem>>
      %dma_start3A = arith.constant 0 : i32
      %dma_start3A_20 = arith.constant 0 : i32
      %dma_start3A_21 = tpu.memref_slice %arg3[%add3A_4, %dma_start3A, %dma_start3A_20] : memref<64x16x128xi32, #tpu.memory_space<hbm>> -> memref<1x16x128xi32, #tpu.memory_space<hbm>>
      %dma_start3A_22 = tpu.memref_squeeze %dma_start3A_21 : memref<1x16x128xi32, #tpu.memory_space<hbm>> -> memref<16x128xi32, #tpu.memory_space<hbm>>
      %dma_start3A_23 = arith.constant 0 : i32
      %dma_start3A_24 = arith.constant 0 : i32
      %dma_start3A_25 = tpu.memref_slice %arg3[%add3A_4, %dma_start3A_23, %dma_start3A_24] : memref<64x16x128xi32, #tpu.memory_space<hbm>> -> memref<1x16x128xi32, #tpu.memory_space<hbm>>
      %dma_start3A_26 = tpu.memref_squeeze %dma_start3A_25 : memref<1x16x128xi32, #tpu.memory_space<hbm>> -> memref<16x128xi32, #tpu.memory_space<hbm>>
      tpu.enqueue_dma source(%dma_start3A_26 : memref<16x128xi32, #tpu.memory_space<hbm>>) target(%arg6 : memref<16x128xi32, #tpu.memory_space<vmem>>) target_semaphore(%run_scoped3A : memref<!tpu.dma_semaphore, #tpu.memory_space<semaphore_mem>>)
      %dma_wait3A = arith.constant 0 : i32
      %dma_wait3A_27 = arith.constant 0 : i32
      %dma_wait3A_28 = tpu.memref_slice %arg3[%add3A_4, %dma_wait3A, %dma_wait3A_27] : memref<64x16x128xi32, #tpu.memory_space<hbm>> -> memref<1x16x128xi32, #tpu.memory_space<hbm>>
      %dma_wait3A_29 = tpu.memref_squeeze %dma_wait3A_28 : memref<1x16x128xi32, #tpu.memory_space<hbm>> -> memref<16x128xi32, #tpu.memory_space<hbm>>
      %dma_wait3A_30 = arith.constant 0 : i32
      %dma_wait3A_31 = arith.constant 0 : i32
      %dma_wait3A_32 = tpu.memref_slice %arg3[%add3A_4, %dma_wait3A_30, %dma_wait3A_31] : memref<64x16x128xi32, #tpu.memory_space<hbm>> -> memref<1x16x128xi32, #tpu.memory_space<hbm>>
      %dma_wait3A_33 = tpu.memref_squeeze %dma_wait3A_32 : memref<1x16x128xi32, #tpu.memory_space<hbm>> -> memref<16x128xi32, #tpu.memory_space<hbm>>
      tpu.wait_dma2 semaphore(%run_scoped3A : memref<!tpu.dma_semaphore, #tpu.memory_space<semaphore_mem>>) src(%dma_wait3A_33 : memref<16x128xi32, #tpu.memory_space<hbm>>) dst(%arg6 : memref<16x128xi32, #tpu.memory_space<vmem>>)
      tpu.yield
    }) : () -> ()
    %scan3A = arith.constant 0 : i32
    %scan3A_5 = arith.constant 0 : i32
    %scan3A_6 = arith.constant 128 : i32
    %scan3A_7 = arith.addi %scan3A_5, %scan3A_6 : i32
    %scan3A_8 = arith.constant 1 : i32
    scf.for %scan3A_20 = %scan3A_5 to %scan3A_7 step %scan3A_8  : i32 {
      %shift_right_arithmetic3A = arith.constant 3 : i32
      %shift_right_arithmetic3A_21 = arith.shrsi %scan3A_20, %shift_right_arithmetic3A : i32
      %and3A = arith.constant 7 : i32
      %and3A_22 = arith.andi %scan3A_20, %and3A : i32
      %mul3A_23 = arith.constant 16 : i32
      %mul3A_24 = arith.muli %and3A_22, %mul3A_23 : i32
      %get3A = arith.index_cast %shift_right_arithmetic3A_21 : i32 to index
      %get3A_25 = arith.index_cast %mul3A_24 : i32 to index
      %get3A_26 = tpu.vector_load %arg6[%get3A, %get3A_25] {strides = array<i32>} : memref<16x128xi32, #tpu.memory_space<vmem>>, vector<16xi32>,
      %mul3A_27 = arith.constant 12 : i32
      %mul3A_28 = vector.broadcast %mul3A_27 : i32 to vector<16xi32>
      %mul3A_29 = arith.muli %get3A_26, %mul3A_28 : vector<16xi32>
      %shift_right_arithmetic3A_30 = arith.constant 3 : i32
      %shift_right_arithmetic3A_31 = arith.shrsi %scan3A_20, %shift_right_arithmetic3A_30 : i32
      %and3A_32 = arith.constant 7 : i32
      %and3A_33 = arith.andi %scan3A_20, %and3A_32 : i32
      %mul3A_34 = arith.constant 16 : i32
      %mul3A_35 = arith.muli %and3A_33, %mul3A_34 : i32
      %add3A_36 = arith.constant 0 : i32
      %add3A_37 = vector.broadcast %add3A_36 : i32 to vector<16xi32>
      %add3A_38 = arith.addi %mul3A_29, %add3A_37 : vector<16xi32>
      %shift_right_arithmetic3A_39 = arith.constant 7 : i32
      %shift_right_arithmetic3A_40 = vector.broadcast %shift_right_arithmetic3A_39 : i32 to vector<16xi32>
      %shift_right_arithmetic3A_41 = arith.shrsi %add3A_38, %shift_right_arithmetic3A_40 : vector<16xi32>
      %and3A_42 = arith.constant 127 : i32
      %and3A_43 = vector.broadcast %and3A_42 : i32 to vector<16xi32>
      %and3A_44 = arith.andi %add3A_38, %and3A_43 : vector<16xi32>
      %gather3A = tpu.vector_load_idx %arg5[%shift_right_arithmetic3A_41, %and3A_44] : memref<192x128xf32, #tpu.memory_space<vmem>>[vector<16xi32>, vector<16xi32>], vector<16xf32>,
      %add3A_45 = arith.constant 0 : i32
      %add3A_46 = arith.addi %add3A_45, %shift_right_arithmetic3A_31 : i32
      %swap3A = arith.index_cast %add3A_46 : i32 to index
      %swap3A_47 = arith.index_cast %mul3A_35 : i32 to index
      %swap3A_48 = tpu.vector_load %arg7[%swap3A, %swap3A_47] {strides = array<i32>} : memref<192x128xf32, #tpu.memory_space<vmem>>, vector<16xf32>,
      tpu.vector_store %arg7[%swap3A, %swap3A_47], %gather3A {strides = array<i32>} : memref<192x128xf32, #tpu.memory_space<vmem>>, vector<16xf32>,
      %add3A_49 = arith.constant 1 : i32
      %add3A_50 = vector.broadcast %add3A_49 : i32 to vector<16xi32>
      %add3A_51 = arith.addi %mul3A_29, %add3A_50 : vector<16xi32>
      %shift_right_arithmetic3A_52 = arith.constant 7 : i32
      %shift_right_arithmetic3A_53 = vector.broadcast %shift_right_arithmetic3A_52 : i32 to vector<16xi32>
      %shift_right_arithmetic3A_54 = arith.shrsi %add3A_51, %shift_right_arithmetic3A_53 : vector<16xi32>
      %and3A_55 = arith.constant 127 : i32
      %and3A_56 = vector.broadcast %and3A_55 : i32 to vector<16xi32>
      %and3A_57 = arith.andi %add3A_51, %and3A_56 : vector<16xi32>
      %gather3A_58 = tpu.vector_load_idx %arg5[%shift_right_arithmetic3A_54, %and3A_57] : memref<192x128xf32, #tpu.memory_space<vmem>>[vector<16xi32>, vector<16xi32>], vector<16xf32>,
      %add3A_59 = arith.constant 16 : i32
      %add3A_60 = arith.addi %add3A_59, %shift_right_arithmetic3A_31 : i32
      %swap3A_61 = arith.index_cast %add3A_60 : i32 to index
      %swap3A_62 = arith.index_cast %mul3A_35 : i32 to index
      %swap3A_63 = tpu.vector_load %arg7[%swap3A_61, %swap3A_62] {strides = array<i32>} : memref<192x128xf32, #tpu.memory_space<vmem>>, vector<16xf32>,
      tpu.vector_store %arg7[%swap3A_61, %swap3A_62], %gather3A_58 {strides = array<i32>} : memref<192x128xf32, #tpu.memory_space<vmem>>, vector<16xf32>,
      %add3A_64 = arith.constant 2 : i32
      %add3A_65 = vector.broadcast %add3A_64 : i32 to vector<16xi32>
      %add3A_66 = arith.addi %mul3A_29, %add3A_65 : vector<16xi32>
      %shift_right_arithmetic3A_67 = arith.constant 7 : i32
      %shift_right_arithmetic3A_68 = vector.broadcast %shift_right_arithmetic3A_67 : i32 to vector<16xi32>
      %shift_right_arithmetic3A_69 = arith.shrsi %add3A_66, %shift_right_arithmetic3A_68 : vector<16xi32>
      %and3A_70 = arith.constant 127 : i32
      %and3A_71 = vector.broadcast %and3A_70 : i32 to vector<16xi32>
      %and3A_72 = arith.andi %add3A_66, %and3A_71 : vector<16xi32>
      %gather3A_73 = tpu.vector_load_idx %arg5[%shift_right_arithmetic3A_69, %and3A_72] : memref<192x128xf32, #tpu.memory_space<vmem>>[vector<16xi32>, vector<16xi32>], vector<16xf32>,
      %add3A_74 = arith.constant 32 : i32
      %add3A_75 = arith.addi %add3A_74, %shift_right_arithmetic3A_31 : i32
      %swap3A_76 = arith.index_cast %add3A_75 : i32 to index
      %swap3A_77 = arith.index_cast %mul3A_35 : i32 to index
      %swap3A_78 = tpu.vector_load %arg7[%swap3A_76, %swap3A_77] {strides = array<i32>} : memref<192x128xf32, #tpu.memory_space<vmem>>, vector<16xf32>,
      tpu.vector_store %arg7[%swap3A_76, %swap3A_77], %gather3A_73 {strides = array<i32>} : memref<192x128xf32, #tpu.memory_space<vmem>>, vector<16xf32>,
      %add3A_79 = arith.constant 3 : i32
      %add3A_80 = vector.broadcast %add3A_79 : i32 to vector<16xi32>
      %add3A_81 = arith.addi %mul3A_29, %add3A_80 : vector<16xi32>
      %shift_right_arithmetic3A_82 = arith.constant 7 : i32
      %shift_right_arithmetic3A_83 = vector.broadcast %shift_right_arithmetic3A_82 : i32 to vector<16xi32>
      %shift_right_arithmetic3A_84 = arith.shrsi %add3A_81, %shift_right_arithmetic3A_83 : vector<16xi32>
      %and3A_85 = arith.constant 127 : i32
      %and3A_86 = vector.broadcast %and3A_85 : i32 to vector<16xi32>
      %and3A_87 = arith.andi %add3A_81, %and3A_86 : vector<16xi32>
      %gather3A_88 = tpu.vector_load_idx %arg5[%shift_right_arithmetic3A_84, %and3A_87] : memref<192x128xf32, #tpu.memory_space<vmem>>[vector<16xi32>, vector<16xi32>], vector<16xf32>,
      %add3A_89 = arith.constant 48 : i32
      %add3A_90 = arith.addi %add3A_89, %shift_right_arithmetic3A_31 : i32
      %swap3A_91 = arith.index_cast %add3A_90 : i32 to index
      %swap3A_92 = arith.index_cast %mul3A_35 : i32 to index
      %swap3A_93 = tpu.vector_load %arg7[%swap3A_91, %swap3A_92] {strides = array<i32>} : memref<192x128xf32, #tpu.memory_space<vmem>>, vector<16xf32>,
      tpu.vector_store %arg7[%swap3A_91, %swap3A_92], %gather3A_88 {strides = array<i32>} : memref<192x128xf32, #tpu.memory_space<vmem>>, vector<16xf32>,
      %add3A_94 = arith.constant 4 : i32
      %add3A_95 = vector.broadcast %add3A_94 : i32 to vector<16xi32>
      %add3A_96 = arith.addi %mul3A_29, %add3A_95 : vector<16xi32>
      %shift_right_arithmetic3A_97 = arith.constant 7 : i32
      %shift_right_arithmetic3A_98 = vector.broadcast %shift_right_arithmetic3A_97 : i32 to vector<16xi32>
      %shift_right_arithmetic3A_99 = arith.shrsi %add3A_96, %shift_right_arithmetic3A_98 : vector<16xi32>
      %and3A_100 = arith.constant 127 : i32
      %and3A_101 = vector.broadcast %and3A_100 : i32 to vector<16xi32>
      %and3A_102 = arith.andi %add3A_96, %and3A_101 : vector<16xi32>
      %gather3A_103 = tpu.vector_load_idx %arg5[%shift_right_arithmetic3A_99, %and3A_102] : memref<192x128xf32, #tpu.memory_space<vmem>>[vector<16xi32>, vector<16xi32>], vector<16xf32>,
      %add3A_104 = arith.constant 64 : i32
      %add3A_105 = arith.addi %add3A_104, %shift_right_arithmetic3A_31 : i32
      %swap3A_106 = arith.index_cast %add3A_105 : i32 to index
      %swap3A_107 = arith.index_cast %mul3A_35 : i32 to index
      %swap3A_108 = tpu.vector_load %arg7[%swap3A_106, %swap3A_107] {strides = array<i32>} : memref<192x128xf32, #tpu.memory_space<vmem>>, vector<16xf32>,
      tpu.vector_store %arg7[%swap3A_106, %swap3A_107], %gather3A_103 {strides = array<i32>} : memref<192x128xf32, #tpu.memory_space<vmem>>, vector<16xf32>,
      %add3A_109 = arith.constant 5 : i32
      %add3A_110 = vector.broadcast %add3A_109 : i32 to vector<16xi32>
      %add3A_111 = arith.addi %mul3A_29, %add3A_110 : vector<16xi32>
      %shift_right_arithmetic3A_112 = arith.constant 7 : i32
      %shift_right_arithmetic3A_113 = vector.broadcast %shift_right_arithmetic3A_112 : i32 to vector<16xi32>
      %shift_right_arithmetic3A_114 = arith.shrsi %add3A_111, %shift_right_arithmetic3A_113 : vector<16xi32>
      %and3A_115 = arith.constant 127 : i32
      %and3A_116 = vector.broadcast %and3A_115 : i32 to vector<16xi32>
      %and3A_117 = arith.andi %add3A_111, %and3A_116 : vector<16xi32>
      %gather3A_118 = tpu.vector_load_idx %arg5[%shift_right_arithmetic3A_114, %and3A_117] : memref<192x128xf32, #tpu.memory_space<vmem>>[vector<16xi32>, vector<16xi32>], vector<16xf32>,
      %add3A_119 = arith.constant 80 : i32
      %add3A_120 = arith.addi %add3A_119, %shift_right_arithmetic3A_31 : i32
      %swap3A_121 = arith.index_cast %add3A_120 : i32 to index
      %swap3A_122 = arith.index_cast %mul3A_35 : i32 to index
      %swap3A_123 = tpu.vector_load %arg7[%swap3A_121, %swap3A_122] {strides = array<i32>} : memref<192x128xf32, #tpu.memory_space<vmem>>, vector<16xf32>,
      tpu.vector_store %arg7[%swap3A_121, %swap3A_122], %gather3A_118 {strides = array<i32>} : memref<192x128xf32, #tpu.memory_space<vmem>>, vector<16xf32>,
      %add3A_124 = arith.constant 6 : i32
      %add3A_125 = vector.broadcast %add3A_124 : i32 to vector<16xi32>
      %add3A_126 = arith.addi %mul3A_29, %add3A_125 : vector<16xi32>
      %shift_right_arithmetic3A_127 = arith.constant 7 : i32
      %shift_right_arithmetic3A_128 = vector.broadcast %shift_right_arithmetic3A_127 : i32 to vector<16xi32>
      %shift_right_arithmetic3A_129 = arith.shrsi %add3A_126, %shift_right_arithmetic3A_128 : vector<16xi32>
      %and3A_130 = arith.constant 127 : i32
      %and3A_131 = vector.broadcast %and3A_130 : i32 to vector<16xi32>
      %and3A_132 = arith.andi %add3A_126, %and3A_131 : vector<16xi32>
      %gather3A_133 = tpu.vector_load_idx %arg5[%shift_right_arithmetic3A_129, %and3A_132] : memref<192x128xf32, #tpu.memory_space<vmem>>[vector<16xi32>, vector<16xi32>], vector<16xf32>,
      %add3A_134 = arith.constant 96 : i32
      %add3A_135 = arith.addi %add3A_134, %shift_right_arithmetic3A_31 : i32
      %swap3A_136 = arith.index_cast %add3A_135 : i32 to index
      %swap3A_137 = arith.index_cast %mul3A_35 : i32 to index
      %swap3A_138 = tpu.vector_load %arg7[%swap3A_136, %swap3A_137] {strides = array<i32>} : memref<192x128xf32, #tpu.memory_space<vmem>>, vector<16xf32>,
      tpu.vector_store %arg7[%swap3A_136, %swap3A_137], %gather3A_133 {strides = array<i32>} : memref<192x128xf32, #tpu.memory_space<vmem>>, vector<16xf32>,
      %add3A_139 = arith.constant 7 : i32
      %add3A_140 = vector.broadcast %add3A_139 : i32 to vector<16xi32>
      %add3A_141 = arith.addi %mul3A_29, %add3A_140 : vector<16xi32>
      %shift_right_arithmetic3A_142 = arith.constant 7 : i32
      %shift_right_arithmetic3A_143 = vector.broadcast %shift_right_arithmetic3A_142 : i32 to vector<16xi32>
      %shift_right_arithmetic3A_144 = arith.shrsi %add3A_141, %shift_right_arithmetic3A_143 : vector<16xi32>
      %and3A_145 = arith.constant 127 : i32
      %and3A_146 = vector.broadcast %and3A_145 : i32 to vector<16xi32>
      %and3A_147 = arith.andi %add3A_141, %and3A_146 : vector<16xi32>
      %gather3A_148 = tpu.vector_load_idx %arg5[%shift_right_arithmetic3A_144, %and3A_147] : memref<192x128xf32, #tpu.memory_space<vmem>>[vector<16xi32>, vector<16xi32>], vector<16xf32>,
      %add3A_149 = arith.constant 112 : i32
      %add3A_150 = arith.addi %add3A_149, %shift_right_arithmetic3A_31 : i32
      %swap3A_151 = arith.index_cast %add3A_150 : i32 to index
      %swap3A_152 = arith.index_cast %mul3A_35 : i32 to index
      %swap3A_153 = tpu.vector_load %arg7[%swap3A_151, %swap3A_152] {strides = array<i32>} : memref<192x128xf32, #tpu.memory_space<vmem>>, vector<16xf32>,
      tpu.vector_store %arg7[%swap3A_151, %swap3A_152], %gather3A_148 {strides = array<i32>} : memref<192x128xf32, #tpu.memory_space<vmem>>, vector<16xf32>,
      %add3A_154 = arith.constant 8 : i32
      %add3A_155 = vector.broadcast %add3A_154 : i32 to vector<16xi32>
      %add3A_156 = arith.addi %mul3A_29, %add3A_155 : vector<16xi32>
      %shift_right_arithmetic3A_157 = arith.constant 7 : i32
      %shift_right_arithmetic3A_158 = vector.broadcast %shift_right_arithmetic3A_157 : i32 to vector<16xi32>
      %shift_right_arithmetic3A_159 = arith.shrsi %add3A_156, %shift_right_arithmetic3A_158 : vector<16xi32>
      %and3A_160 = arith.constant 127 : i32
      %and3A_161 = vector.broadcast %and3A_160 : i32 to vector<16xi32>
      %and3A_162 = arith.andi %add3A_156, %and3A_161 : vector<16xi32>
      %gather3A_163 = tpu.vector_load_idx %arg5[%shift_right_arithmetic3A_159, %and3A_162] : memref<192x128xf32, #tpu.memory_space<vmem>>[vector<16xi32>, vector<16xi32>], vector<16xf32>,
      %add3A_164 = arith.constant 128 : i32
      %add3A_165 = arith.addi %add3A_164, %shift_right_arithmetic3A_31 : i32
      %swap3A_166 = arith.index_cast %add3A_165 : i32 to index
      %swap3A_167 = arith.index_cast %mul3A_35 : i32 to index
      %swap3A_168 = tpu.vector_load %arg7[%swap3A_166, %swap3A_167] {strides = array<i32>} : memref<192x128xf32, #tpu.memory_space<vmem>>, vector<16xf32>,
      tpu.vector_store %arg7[%swap3A_166, %swap3A_167], %gather3A_163 {strides = array<i32>} : memref<192x128xf32, #tpu.memory_space<vmem>>, vector<16xf32>,
      %add3A_169 = arith.constant 9 : i32
      %add3A_170 = vector.broadcast %add3A_169 : i32 to vector<16xi32>
      %add3A_171 = arith.addi %mul3A_29, %add3A_170 : vector<16xi32>
      %shift_right_arithmetic3A_172 = arith.constant 7 : i32
      %shift_right_arithmetic3A_173 = vector.broadcast %shift_right_arithmetic3A_172 : i32 to vector<16xi32>
      %shift_right_arithmetic3A_174 = arith.shrsi %add3A_171, %shift_right_arithmetic3A_173 : vector<16xi32>
      %and3A_175 = arith.constant 127 : i32
      %and3A_176 = vector.broadcast %and3A_175 : i32 to vector<16xi32>
      %and3A_177 = arith.andi %add3A_171, %and3A_176 : vector<16xi32>
      %gather3A_178 = tpu.vector_load_idx %arg5[%shift_right_arithmetic3A_174, %and3A_177] : memref<192x128xf32, #tpu.memory_space<vmem>>[vector<16xi32>, vector<16xi32>], vector<16xf32>,
      %add3A_179 = arith.constant 144 : i32
      %add3A_180 = arith.addi %add3A_179, %shift_right_arithmetic3A_31 : i32
      %swap3A_181 = arith.index_cast %add3A_180 : i32 to index
      %swap3A_182 = arith.index_cast %mul3A_35 : i32 to index
      %swap3A_183 = tpu.vector_load %arg7[%swap3A_181, %swap3A_182] {strides = array<i32>} : memref<192x128xf32, #tpu.memory_space<vmem>>, vector<16xf32>,
      tpu.vector_store %arg7[%swap3A_181, %swap3A_182], %gather3A_178 {strides = array<i32>} : memref<192x128xf32, #tpu.memory_space<vmem>>, vector<16xf32>,
      %add3A_184 = arith.constant 10 : i32
      %add3A_185 = vector.broadcast %add3A_184 : i32 to vector<16xi32>
      %add3A_186 = arith.addi %mul3A_29, %add3A_185 : vector<16xi32>
      %shift_right_arithmetic3A_187 = arith.constant 7 : i32
      %shift_right_arithmetic3A_188 = vector.broadcast %shift_right_arithmetic3A_187 : i32 to vector<16xi32>
      %shift_right_arithmetic3A_189 = arith.shrsi %add3A_186, %shift_right_arithmetic3A_188 : vector<16xi32>
      %and3A_190 = arith.constant 127 : i32
      %and3A_191 = vector.broadcast %and3A_190 : i32 to vector<16xi32>
      %and3A_192 = arith.andi %add3A_186, %and3A_191 : vector<16xi32>
      %gather3A_193 = tpu.vector_load_idx %arg5[%shift_right_arithmetic3A_189, %and3A_192] : memref<192x128xf32, #tpu.memory_space<vmem>>[vector<16xi32>, vector<16xi32>], vector<16xf32>,
      %add3A_194 = arith.constant 160 : i32
      %add3A_195 = arith.addi %add3A_194, %shift_right_arithmetic3A_31 : i32
      %swap3A_196 = arith.index_cast %add3A_195 : i32 to index
      %swap3A_197 = arith.index_cast %mul3A_35 : i32 to index
      %swap3A_198 = tpu.vector_load %arg7[%swap3A_196, %swap3A_197] {strides = array<i32>} : memref<192x128xf32, #tpu.memory_space<vmem>>, vector<16xf32>,
      tpu.vector_store %arg7[%swap3A_196, %swap3A_197], %gather3A_193 {strides = array<i32>} : memref<192x128xf32, #tpu.memory_space<vmem>>, vector<16xf32>,
      %add3A_199 = arith.constant 11 : i32
      %add3A_200 = vector.broadcast %add3A_199 : i32 to vector<16xi32>
      %add3A_201 = arith.addi %mul3A_29, %add3A_200 : vector<16xi32>
      %shift_right_arithmetic3A_202 = arith.constant 7 : i32
      %shift_right_arithmetic3A_203 = vector.broadcast %shift_right_arithmetic3A_202 : i32 to vector<16xi32>
      %shift_right_arithmetic3A_204 = arith.shrsi %add3A_201, %shift_right_arithmetic3A_203 : vector<16xi32>
      %and3A_205 = arith.constant 127 : i32
      %and3A_206 = vector.broadcast %and3A_205 : i32 to vector<16xi32>
      %and3A_207 = arith.andi %add3A_201, %and3A_206 : vector<16xi32>
      %gather3A_208 = tpu.vector_load_idx %arg5[%shift_right_arithmetic3A_204, %and3A_207] : memref<192x128xf32, #tpu.memory_space<vmem>>[vector<16xi32>, vector<16xi32>], vector<16xf32>,
      %add3A_209 = arith.constant 176 : i32
      %add3A_210 = arith.addi %add3A_209, %shift_right_arithmetic3A_31 : i32
      %swap3A_211 = arith.index_cast %add3A_210 : i32 to index
      %swap3A_212 = arith.index_cast %mul3A_35 : i32 to index
      %swap3A_213 = tpu.vector_load %arg7[%swap3A_211, %swap3A_212] {strides = array<i32>} : memref<192x128xf32, #tpu.memory_space<vmem>>, vector<16xf32>,
      tpu.vector_store %arg7[%swap3A_211, %swap3A_212], %gather3A_208 {strides = array<i32>} : memref<192x128xf32, #tpu.memory_space<vmem>>, vector<16xf32>,
    }
    %scan3A_9 = arith.constant 128 : i32
    "tpu.region"() ({
      %run_scoped3A = tpu.sem_alloc : memref<!tpu.dma_semaphore, #tpu.memory_space<semaphore_mem>>
      %dma_start3A = arith.constant 0 : i32
      %dma_start3A_20 = arith.constant 0 : i32
      %dma_start3A_21 = tpu.memref_slice %arg4[%add3A_4, %dma_start3A, %dma_start3A_20] : memref<64x192x128xf32, #tpu.memory_space<hbm>> -> memref<1x192x128xf32, #tpu.memory_space<hbm>>
      %dma_start3A_22 = tpu.memref_squeeze %dma_start3A_21 : memref<1x192x128xf32, #tpu.memory_space<hbm>> -> memref<192x128xf32, #tpu.memory_space<hbm>>
      %dma_start3A_23 = arith.constant 0 : i32
      %dma_start3A_24 = arith.constant 0 : i32
      %dma_start3A_25 = tpu.memref_slice %arg4[%add3A_4, %dma_start3A_23, %dma_start3A_24] : memref<64x192x128xf32, #tpu.memory_space<hbm>> -> memref<1x192x128xf32, #tpu.memory_space<hbm>>
      %dma_start3A_26 = tpu.memref_squeeze %dma_start3A_25 : memref<1x192x128xf32, #tpu.memory_space<hbm>> -> memref<192x128xf32, #tpu.memory_space<hbm>>
      tpu.enqueue_dma source(%arg7 : memref<192x128xf32, #tpu.memory_space<vmem>>) target(%dma_start3A_26 : memref<192x128xf32, #tpu.memory_space<hbm>>) target_semaphore(%run_scoped3A : memref<!tpu.dma_semaphore, #tpu.memory_space<semaphore_mem>>)
      %dma_wait3A = arith.constant 0 : i32
      %dma_wait3A_27 = arith.constant 0 : i32
      %dma_wait3A_28 = tpu.memref_slice %arg4[%add3A_4, %dma_wait3A, %dma_wait3A_27] : memref<64x192x128xf32, #tpu.memory_space<hbm>> -> memref<1x192x128xf32, #tpu.memory_space<hbm>>
      %dma_wait3A_29 = tpu.memref_squeeze %dma_wait3A_28 : memref<1x192x128xf32, #tpu.memory_space<hbm>> -> memref<192x128xf32, #tpu.memory_space<hbm>>
      %dma_wait3A_30 = arith.constant 0 : i32
      %dma_wait3A_31 = arith.constant 0 : i32
      %dma_wait3A_32 = tpu.memref_slice %arg4[%add3A_4, %dma_wait3A_30, %dma_wait3A_31] : memref<64x192x128xf32, #tpu.memory_space<hbm>> -> memref<1x192x128xf32, #tpu.memory_space<hbm>>
      %dma_wait3A_33 = tpu.memref_squeeze %dma_wait3A_32 : memref<1x192x128xf32, #tpu.memory_space<hbm>> -> memref<192x128xf32, #tpu.memory_space<hbm>>
      tpu.wait_dma2 semaphore(%run_scoped3A : memref<!tpu.dma_semaphore, #tpu.memory_space<semaphore_mem>>) src(%arg7 : memref<192x128xf32, #tpu.memory_space<vmem>>) dst(%dma_wait3A_33 : memref<192x128xf32, #tpu.memory_space<hbm>>)
      tpu.yield
    }) : () -> ()
    %mul3A_10 = arith.constant 2 : i32
    %mul3A_11 = arith.muli %add3A, %mul3A_10 : i32
    %add3A_12 = arith.constant 1 : i32
    %add3A_13 = arith.addi %mul3A_11, %add3A_12 : i32
    "tpu.region"() ({
      %run_scoped3A = tpu.sem_alloc : memref<!tpu.dma_semaphore, #tpu.memory_space<semaphore_mem>>
      %dma_start3A = arith.constant 0 : i32
      %dma_start3A_20 = arith.constant 0 : i32
      %dma_start3A_21 = tpu.memref_slice %arg2[%add3A_13, %dma_start3A, %dma_start3A_20] : memref<64x192x128xf32, #tpu.memory_space<hbm>> -> memref<1x192x128xf32, #tpu.memory_space<hbm>>
      %dma_start3A_22 = tpu.memref_squeeze %dma_start3A_21 : memref<1x192x128xf32, #tpu.memory_space<hbm>> -> memref<192x128xf32, #tpu.memory_space<hbm>>
      %dma_start3A_23 = arith.constant 0 : i32
      %dma_start3A_24 = arith.constant 0 : i32
      %dma_start3A_25 = tpu.memref_slice %arg2[%add3A_13, %dma_start3A_23, %dma_start3A_24] : memref<64x192x128xf32, #tpu.memory_space<hbm>> -> memref<1x192x128xf32, #tpu.memory_space<hbm>>
      %dma_start3A_26 = tpu.memref_squeeze %dma_start3A_25 : memref<1x192x128xf32, #tpu.memory_space<hbm>> -> memref<192x128xf32, #tpu.memory_space<hbm>>
      tpu.enqueue_dma source(%dma_start3A_26 : memref<192x128xf32, #tpu.memory_space<hbm>>) target(%arg5 : memref<192x128xf32, #tpu.memory_space<vmem>>) target_semaphore(%run_scoped3A : memref<!tpu.dma_semaphore, #tpu.memory_space<semaphore_mem>>)
      %dma_wait3A = arith.constant 0 : i32
      %dma_wait3A_27 = arith.constant 0 : i32
      %dma_wait3A_28 = tpu.memref_slice %arg2[%add3A_13, %dma_wait3A, %dma_wait3A_27] : memref<64x192x128xf32, #tpu.memory_space<hbm>> -> memref<1x192x128xf32, #tpu.memory_space<hbm>>
      %dma_wait3A_29 = tpu.memref_squeeze %dma_wait3A_28 : memref<1x192x128xf32, #tpu.memory_space<hbm>> -> memref<192x128xf32, #tpu.memory_space<hbm>>
      %dma_wait3A_30 = arith.constant 0 : i32
      %dma_wait3A_31 = arith.constant 0 : i32
      %dma_wait3A_32 = tpu.memref_slice %arg2[%add3A_13, %dma_wait3A_30, %dma_wait3A_31] : memref<64x192x128xf32, #tpu.memory_space<hbm>> -> memref<1x192x128xf32, #tpu.memory_space<hbm>>
      %dma_wait3A_33 = tpu.memref_squeeze %dma_wait3A_32 : memref<1x192x128xf32, #tpu.memory_space<hbm>> -> memref<192x128xf32, #tpu.memory_space<hbm>>
      tpu.wait_dma2 semaphore(%run_scoped3A : memref<!tpu.dma_semaphore, #tpu.memory_space<semaphore_mem>>) src(%dma_wait3A_33 : memref<192x128xf32, #tpu.memory_space<hbm>>) dst(%arg5 : memref<192x128xf32, #tpu.memory_space<vmem>>)
      tpu.yield
    }) : () -> ()
    "tpu.region"() ({
      %run_scoped3A = tpu.sem_alloc : memref<!tpu.dma_semaphore, #tpu.memory_space<semaphore_mem>>
      %dma_start3A = arith.constant 0 : i32
      %dma_start3A_20 = arith.constant 0 : i32
      %dma_start3A_21 = tpu.memref_slice %arg3[%add3A_13, %dma_start3A, %dma_start3A_20] : memref<64x16x128xi32, #tpu.memory_space<hbm>> -> memref<1x16x128xi32, #tpu.memory_space<hbm>>
      %dma_start3A_22 = tpu.memref_squeeze %dma_start3A_21 : memref<1x16x128xi32, #tpu.memory_space<hbm>> -> memref<16x128xi32, #tpu.memory_space<hbm>>
      %dma_start3A_23 = arith.constant 0 : i32
      %dma_start3A_24 = arith.constant 0 : i32
      %dma_start3A_25 = tpu.memref_slice %arg3[%add3A_13, %dma_start3A_23, %dma_start3A_24] : memref<64x16x128xi32, #tpu.memory_space<hbm>> -> memref<1x16x128xi32, #tpu.memory_space<hbm>>
      %dma_start3A_26 = tpu.memref_squeeze %dma_start3A_25 : memref<1x16x128xi32, #tpu.memory_space<hbm>> -> memref<16x128xi32, #tpu.memory_space<hbm>>
      tpu.enqueue_dma source(%dma_start3A_26 : memref<16x128xi32, #tpu.memory_space<hbm>>) target(%arg6 : memref<16x128xi32, #tpu.memory_space<vmem>>) target_semaphore(%run_scoped3A : memref<!tpu.dma_semaphore, #tpu.memory_space<semaphore_mem>>)
      %dma_wait3A = arith.constant 0 : i32
      %dma_wait3A_27 = arith.constant 0 : i32
      %dma_wait3A_28 = tpu.memref_slice %arg3[%add3A_13, %dma_wait3A, %dma_wait3A_27] : memref<64x16x128xi32, #tpu.memory_space<hbm>> -> memref<1x16x128xi32, #tpu.memory_space<hbm>>
      %dma_wait3A_29 = tpu.memref_squeeze %dma_wait3A_28 : memref<1x16x128xi32, #tpu.memory_space<hbm>> -> memref<16x128xi32, #tpu.memory_space<hbm>>
      %dma_wait3A_30 = arith.constant 0 : i32
      %dma_wait3A_31 = arith.constant 0 : i32
      %dma_wait3A_32 = tpu.memref_slice %arg3[%add3A_13, %dma_wait3A_30, %dma_wait3A_31] : memref<64x16x128xi32, #tpu.memory_space<hbm>> -> memref<1x16x128xi32, #tpu.memory_space<hbm>>
      %dma_wait3A_33 = tpu.memref_squeeze %dma_wait3A_32 : memref<1x16x128xi32, #tpu.memory_space<hbm>> -> memref<16x128xi32, #tpu.memory_space<hbm>>
      tpu.wait_dma2 semaphore(%run_scoped3A : memref<!tpu.dma_semaphore, #tpu.memory_space<semaphore_mem>>) src(%dma_wait3A_33 : memref<16x128xi32, #tpu.memory_space<hbm>>) dst(%arg6 : memref<16x128xi32, #tpu.memory_space<vmem>>)
      tpu.yield
    }) : () -> ()
    %scan3A_14 = arith.constant 0 : i32
    %scan3A_15 = arith.constant 0 : i32
    %scan3A_16 = arith.constant 128 : i32
    %scan3A_17 = arith.addi %scan3A_15, %scan3A_16 : i32
    %scan3A_18 = arith.constant 1 : i32
    scf.for %scan3A_20 = %scan3A_15 to %scan3A_17 step %scan3A_18  : i32 {
      %shift_right_arithmetic3A = arith.constant 3 : i32
      %shift_right_arithmetic3A_21 = arith.shrsi %scan3A_20, %shift_right_arithmetic3A : i32
      %and3A = arith.constant 7 : i32
      %and3A_22 = arith.andi %scan3A_20, %and3A : i32
      %mul3A_23 = arith.constant 16 : i32
      %mul3A_24 = arith.muli %and3A_22, %mul3A_23 : i32
      %get3A = arith.index_cast %shift_right_arithmetic3A_21 : i32 to index
      %get3A_25 = arith.index_cast %mul3A_24 : i32 to index
      %get3A_26 = tpu.vector_load %arg6[%get3A, %get3A_25] {strides = array<i32>} : memref<16x128xi32, #tpu.memory_space<vmem>>, vector<16xi32>,
      %mul3A_27 = arith.constant 12 : i32
      %mul3A_28 = vector.broadcast %mul3A_27 : i32 to vector<16xi32>
      %mul3A_29 = arith.muli %get3A_26, %mul3A_28 : vector<16xi32>
      %shift_right_arithmetic3A_30 = arith.constant 3 : i32
      %shift_right_arithmetic3A_31 = arith.shrsi %scan3A_20, %shift_right_arithmetic3A_30 : i32
      %and3A_32 = arith.constant 7 : i32
      %and3A_33 = arith.andi %scan3A_20, %and3A_32 : i32
      %mul3A_34 = arith.constant 16 : i32
      %mul3A_35 = arith.muli %and3A_33, %mul3A_34 : i32
      %add3A_36 = arith.constant 0 : i32
      %add3A_37 = vector.broadcast %add3A_36 : i32 to vector<16xi32>
      %add3A_38 = arith.addi %mul3A_29, %add3A_37 : vector<16xi32>
      %shift_right_arithmetic3A_39 = arith.constant 7 : i32
      %shift_right_arithmetic3A_40 = vector.broadcast %shift_right_arithmetic3A_39 : i32 to vector<16xi32>
      %shift_right_arithmetic3A_41 = arith.shrsi %add3A_38, %shift_right_arithmetic3A_40 : vector<16xi32>
      %and3A_42 = arith.constant 127 : i32
      %and3A_43 = vector.broadcast %and3A_42 : i32 to vector<16xi32>
      %and3A_44 = arith.andi %add3A_38, %and3A_43 : vector<16xi32>
      %gather3A = tpu.vector_load_idx %arg5[%shift_right_arithmetic3A_41, %and3A_44] : memref<192x128xf32, #tpu.memory_space<vmem>>[vector<16xi32>, vector<16xi32>], vector<16xf32>,
      %add3A_45 = arith.constant 0 : i32
      %add3A_46 = arith.addi %add3A_45, %shift_right_arithmetic3A_31 : i32
      %swap3A = arith.index_cast %add3A_46 : i32 to index
      %swap3A_47 = arith.index_cast %mul3A_35 : i32 to index
      %swap3A_48 = tpu.vector_load %arg7[%swap3A, %swap3A_47] {strides = array<i32>} : memref<192x128xf32, #tpu.memory_space<vmem>>, vector<16xf32>,
      tpu.vector_store %arg7[%swap3A, %swap3A_47], %gather3A {strides = array<i32>} : memref<192x128xf32, #tpu.memory_space<vmem>>, vector<16xf32>,
      %add3A_49 = arith.constant 1 : i32
      %add3A_50 = vector.broadcast %add3A_49 : i32 to vector<16xi32>
      %add3A_51 = arith.addi %mul3A_29, %add3A_50 : vector<16xi32>
      %shift_right_arithmetic3A_52 = arith.constant 7 : i32
      %shift_right_arithmetic3A_53 = vector.broadcast %shift_right_arithmetic3A_52 : i32 to vector<16xi32>
      %shift_right_arithmetic3A_54 = arith.shrsi %add3A_51, %shift_right_arithmetic3A_53 : vector<16xi32>
      %and3A_55 = arith.constant 127 : i32
      %and3A_56 = vector.broadcast %and3A_55 : i32 to vector<16xi32>
      %and3A_57 = arith.andi %add3A_51, %and3A_56 : vector<16xi32>
      %gather3A_58 = tpu.vector_load_idx %arg5[%shift_right_arithmetic3A_54, %and3A_57] : memref<192x128xf32, #tpu.memory_space<vmem>>[vector<16xi32>, vector<16xi32>], vector<16xf32>,
      %add3A_59 = arith.constant 16 : i32
      %add3A_60 = arith.addi %add3A_59, %shift_right_arithmetic3A_31 : i32
      %swap3A_61 = arith.index_cast %add3A_60 : i32 to index
      %swap3A_62 = arith.index_cast %mul3A_35 : i32 to index
      %swap3A_63 = tpu.vector_load %arg7[%swap3A_61, %swap3A_62] {strides = array<i32>} : memref<192x128xf32, #tpu.memory_space<vmem>>, vector<16xf32>,
      tpu.vector_store %arg7[%swap3A_61, %swap3A_62], %gather3A_58 {strides = array<i32>} : memref<192x128xf32, #tpu.memory_space<vmem>>, vector<16xf32>,
      %add3A_64 = arith.constant 2 : i32
      %add3A_65 = vector.broadcast %add3A_64 : i32 to vector<16xi32>
      %add3A_66 = arith.addi %mul3A_29, %add3A_65 : vector<16xi32>
      %shift_right_arithmetic3A_67 = arith.constant 7 : i32
      %shift_right_arithmetic3A_68 = vector.broadcast %shift_right_arithmetic3A_67 : i32 to vector<16xi32>
      %shift_right_arithmetic3A_69 = arith.shrsi %add3A_66, %shift_right_arithmetic3A_68 : vector<16xi32>
      %and3A_70 = arith.constant 127 : i32
      %and3A_71 = vector.broadcast %and3A_70 : i32 to vector<16xi32>
      %and3A_72 = arith.andi %add3A_66, %and3A_71 : vector<16xi32>
      %gather3A_73 = tpu.vector_load_idx %arg5[%shift_right_arithmetic3A_69, %and3A_72] : memref<192x128xf32, #tpu.memory_space<vmem>>[vector<16xi32>, vector<16xi32>], vector<16xf32>,
      %add3A_74 = arith.constant 32 : i32
      %add3A_75 = arith.addi %add3A_74, %shift_right_arithmetic3A_31 : i32
      %swap3A_76 = arith.index_cast %add3A_75 : i32 to index
      %swap3A_77 = arith.index_cast %mul3A_35 : i32 to index
      %swap3A_78 = tpu.vector_load %arg7[%swap3A_76, %swap3A_77] {strides = array<i32>} : memref<192x128xf32, #tpu.memory_space<vmem>>, vector<16xf32>,
      tpu.vector_store %arg7[%swap3A_76, %swap3A_77], %gather3A_73 {strides = array<i32>} : memref<192x128xf32, #tpu.memory_space<vmem>>, vector<16xf32>,
      %add3A_79 = arith.constant 3 : i32
      %add3A_80 = vector.broadcast %add3A_79 : i32 to vector<16xi32>
      %add3A_81 = arith.addi %mul3A_29, %add3A_80 : vector<16xi32>
      %shift_right_arithmetic3A_82 = arith.constant 7 : i32
      %shift_right_arithmetic3A_83 = vector.broadcast %shift_right_arithmetic3A_82 : i32 to vector<16xi32>
      %shift_right_arithmetic3A_84 = arith.shrsi %add3A_81, %shift_right_arithmetic3A_83 : vector<16xi32>
      %and3A_85 = arith.constant 127 : i32
      %and3A_86 = vector.broadcast %and3A_85 : i32 to vector<16xi32>
      %and3A_87 = arith.andi %add3A_81, %and3A_86 : vector<16xi32>
      %gather3A_88 = tpu.vector_load_idx %arg5[%shift_right_arithmetic3A_84, %and3A_87] : memref<192x128xf32, #tpu.memory_space<vmem>>[vector<16xi32>, vector<16xi32>], vector<16xf32>,
      %add3A_89 = arith.constant 48 : i32
      %add3A_90 = arith.addi %add3A_89, %shift_right_arithmetic3A_31 : i32
      %swap3A_91 = arith.index_cast %add3A_90 : i32 to index
      %swap3A_92 = arith.index_cast %mul3A_35 : i32 to index
      %swap3A_93 = tpu.vector_load %arg7[%swap3A_91, %swap3A_92] {strides = array<i32>} : memref<192x128xf32, #tpu.memory_space<vmem>>, vector<16xf32>,
      tpu.vector_store %arg7[%swap3A_91, %swap3A_92], %gather3A_88 {strides = array<i32>} : memref<192x128xf32, #tpu.memory_space<vmem>>, vector<16xf32>,
      %add3A_94 = arith.constant 4 : i32
      %add3A_95 = vector.broadcast %add3A_94 : i32 to vector<16xi32>
      %add3A_96 = arith.addi %mul3A_29, %add3A_95 : vector<16xi32>
      %shift_right_arithmetic3A_97 = arith.constant 7 : i32
      %shift_right_arithmetic3A_98 = vector.broadcast %shift_right_arithmetic3A_97 : i32 to vector<16xi32>
      %shift_right_arithmetic3A_99 = arith.shrsi %add3A_96, %shift_right_arithmetic3A_98 : vector<16xi32>
      %and3A_100 = arith.constant 127 : i32
      %and3A_101 = vector.broadcast %and3A_100 : i32 to vector<16xi32>
      %and3A_102 = arith.andi %add3A_96, %and3A_101 : vector<16xi32>
      %gather3A_103 = tpu.vector_load_idx %arg5[%shift_right_arithmetic3A_99, %and3A_102] : memref<192x128xf32, #tpu.memory_space<vmem>>[vector<16xi32>, vector<16xi32>], vector<16xf32>,
      %add3A_104 = arith.constant 64 : i32
      %add3A_105 = arith.addi %add3A_104, %shift_right_arithmetic3A_31 : i32
      %swap3A_106 = arith.index_cast %add3A_105 : i32 to index
      %swap3A_107 = arith.index_cast %mul3A_35 : i32 to index
      %swap3A_108 = tpu.vector_load %arg7[%swap3A_106, %swap3A_107] {strides = array<i32>} : memref<192x128xf32, #tpu.memory_space<vmem>>, vector<16xf32>,
      tpu.vector_store %arg7[%swap3A_106, %swap3A_107], %gather3A_103 {strides = array<i32>} : memref<192x128xf32, #tpu.memory_space<vmem>>, vector<16xf32>,
      %add3A_109 = arith.constant 5 : i32
      %add3A_110 = vector.broadcast %add3A_109 : i32 to vector<16xi32>
      %add3A_111 = arith.addi %mul3A_29, %add3A_110 : vector<16xi32>
      %shift_right_arithmetic3A_112 = arith.constant 7 : i32
      %shift_right_arithmetic3A_113 = vector.broadcast %shift_right_arithmetic3A_112 : i32 to vector<16xi32>
      %shift_right_arithmetic3A_114 = arith.shrsi %add3A_111, %shift_right_arithmetic3A_113 : vector<16xi32>
      %and3A_115 = arith.constant 127 : i32
      %and3A_116 = vector.broadcast %and3A_115 : i32 to vector<16xi32>
      %and3A_117 = arith.andi %add3A_111, %and3A_116 : vector<16xi32>
      %gather3A_118 = tpu.vector_load_idx %arg5[%shift_right_arithmetic3A_114, %and3A_117] : memref<192x128xf32, #tpu.memory_space<vmem>>[vector<16xi32>, vector<16xi32>], vector<16xf32>,
      %add3A_119 = arith.constant 80 : i32
      %add3A_120 = arith.addi %add3A_119, %shift_right_arithmetic3A_31 : i32
      %swap3A_121 = arith.index_cast %add3A_120 : i32 to index
      %swap3A_122 = arith.index_cast %mul3A_35 : i32 to index
      %swap3A_123 = tpu.vector_load %arg7[%swap3A_121, %swap3A_122] {strides = array<i32>} : memref<192x128xf32, #tpu.memory_space<vmem>>, vector<16xf32>,
      tpu.vector_store %arg7[%swap3A_121, %swap3A_122], %gather3A_118 {strides = array<i32>} : memref<192x128xf32, #tpu.memory_space<vmem>>, vector<16xf32>,
      %add3A_124 = arith.constant 6 : i32
      %add3A_125 = vector.broadcast %add3A_124 : i32 to vector<16xi32>
      %add3A_126 = arith.addi %mul3A_29, %add3A_125 : vector<16xi32>
      %shift_right_arithmetic3A_127 = arith.constant 7 : i32
      %shift_right_arithmetic3A_128 = vector.broadcast %shift_right_arithmetic3A_127 : i32 to vector<16xi32>
      %shift_right_arithmetic3A_129 = arith.shrsi %add3A_126, %shift_right_arithmetic3A_128 : vector<16xi32>
      %and3A_130 = arith.constant 127 : i32
      %and3A_131 = vector.broadcast %and3A_130 : i32 to vector<16xi32>
      %and3A_132 = arith.andi %add3A_126, %and3A_131 : vector<16xi32>
      %gather3A_133 = tpu.vector_load_idx %arg5[%shift_right_arithmetic3A_129, %and3A_132] : memref<192x128xf32, #tpu.memory_space<vmem>>[vector<16xi32>, vector<16xi32>], vector<16xf32>,
      %add3A_134 = arith.constant 96 : i32
      %add3A_135 = arith.addi %add3A_134, %shift_right_arithmetic3A_31 : i32
      %swap3A_136 = arith.index_cast %add3A_135 : i32 to index
      %swap3A_137 = arith.index_cast %mul3A_35 : i32 to index
      %swap3A_138 = tpu.vector_load %arg7[%swap3A_136, %swap3A_137] {strides = array<i32>} : memref<192x128xf32, #tpu.memory_space<vmem>>, vector<16xf32>,
      tpu.vector_store %arg7[%swap3A_136, %swap3A_137], %gather3A_133 {strides = array<i32>} : memref<192x128xf32, #tpu.memory_space<vmem>>, vector<16xf32>,
      %add3A_139 = arith.constant 7 : i32
      %add3A_140 = vector.broadcast %add3A_139 : i32 to vector<16xi32>
      %add3A_141 = arith.addi %mul3A_29, %add3A_140 : vector<16xi32>
      %shift_right_arithmetic3A_142 = arith.constant 7 : i32
      %shift_right_arithmetic3A_143 = vector.broadcast %shift_right_arithmetic3A_142 : i32 to vector<16xi32>
      %shift_right_arithmetic3A_144 = arith.shrsi %add3A_141, %shift_right_arithmetic3A_143 : vector<16xi32>
      %and3A_145 = arith.constant 127 : i32
      %and3A_146 = vector.broadcast %and3A_145 : i32 to vector<16xi32>
      %and3A_147 = arith.andi %add3A_141, %and3A_146 : vector<16xi32>
      %gather3A_148 = tpu.vector_load_idx %arg5[%shift_right_arithmetic3A_144, %and3A_147] : memref<192x128xf32, #tpu.memory_space<vmem>>[vector<16xi32>, vector<16xi32>], vector<16xf32>,
      %add3A_149 = arith.constant 112 : i32
      %add3A_150 = arith.addi %add3A_149, %shift_right_arithmetic3A_31 : i32
      %swap3A_151 = arith.index_cast %add3A_150 : i32 to index
      %swap3A_152 = arith.index_cast %mul3A_35 : i32 to index
      %swap3A_153 = tpu.vector_load %arg7[%swap3A_151, %swap3A_152] {strides = array<i32>} : memref<192x128xf32, #tpu.memory_space<vmem>>, vector<16xf32>,
      tpu.vector_store %arg7[%swap3A_151, %swap3A_152], %gather3A_148 {strides = array<i32>} : memref<192x128xf32, #tpu.memory_space<vmem>>, vector<16xf32>,
      %add3A_154 = arith.constant 8 : i32
      %add3A_155 = vector.broadcast %add3A_154 : i32 to vector<16xi32>
      %add3A_156 = arith.addi %mul3A_29, %add3A_155 : vector<16xi32>
      %shift_right_arithmetic3A_157 = arith.constant 7 : i32
      %shift_right_arithmetic3A_158 = vector.broadcast %shift_right_arithmetic3A_157 : i32 to vector<16xi32>
      %shift_right_arithmetic3A_159 = arith.shrsi %add3A_156, %shift_right_arithmetic3A_158 : vector<16xi32>
      %and3A_160 = arith.constant 127 : i32
      %and3A_161 = vector.broadcast %and3A_160 : i32 to vector<16xi32>
      %and3A_162 = arith.andi %add3A_156, %and3A_161 : vector<16xi32>
      %gather3A_163 = tpu.vector_load_idx %arg5[%shift_right_arithmetic3A_159, %and3A_162] : memref<192x128xf32, #tpu.memory_space<vmem>>[vector<16xi32>, vector<16xi32>], vector<16xf32>,
      %add3A_164 = arith.constant 128 : i32
      %add3A_165 = arith.addi %add3A_164, %shift_right_arithmetic3A_31 : i32
      %swap3A_166 = arith.index_cast %add3A_165 : i32 to index
      %swap3A_167 = arith.index_cast %mul3A_35 : i32 to index
      %swap3A_168 = tpu.vector_load %arg7[%swap3A_166, %swap3A_167] {strides = array<i32>} : memref<192x128xf32, #tpu.memory_space<vmem>>, vector<16xf32>,
      tpu.vector_store %arg7[%swap3A_166, %swap3A_167], %gather3A_163 {strides = array<i32>} : memref<192x128xf32, #tpu.memory_space<vmem>>, vector<16xf32>,
      %add3A_169 = arith.constant 9 : i32
      %add3A_170 = vector.broadcast %add3A_169 : i32 to vector<16xi32>
      %add3A_171 = arith.addi %mul3A_29, %add3A_170 : vector<16xi32>
      %shift_right_arithmetic3A_172 = arith.constant 7 : i32
      %shift_right_arithmetic3A_173 = vector.broadcast %shift_right_arithmetic3A_172 : i32 to vector<16xi32>
      %shift_right_arithmetic3A_174 = arith.shrsi %add3A_171, %shift_right_arithmetic3A_173 : vector<16xi32>
      %and3A_175 = arith.constant 127 : i32
      %and3A_176 = vector.broadcast %and3A_175 : i32 to vector<16xi32>
      %and3A_177 = arith.andi %add3A_171, %and3A_176 : vector<16xi32>
      %gather3A_178 = tpu.vector_load_idx %arg5[%shift_right_arithmetic3A_174, %and3A_177] : memref<192x128xf32, #tpu.memory_space<vmem>>[vector<16xi32>, vector<16xi32>], vector<16xf32>,
      %add3A_179 = arith.constant 144 : i32
      %add3A_180 = arith.addi %add3A_179, %shift_right_arithmetic3A_31 : i32
      %swap3A_181 = arith.index_cast %add3A_180 : i32 to index
      %swap3A_182 = arith.index_cast %mul3A_35 : i32 to index
      %swap3A_183 = tpu.vector_load %arg7[%swap3A_181, %swap3A_182] {strides = array<i32>} : memref<192x128xf32, #tpu.memory_space<vmem>>, vector<16xf32>,
      tpu.vector_store %arg7[%swap3A_181, %swap3A_182], %gather3A_178 {strides = array<i32>} : memref<192x128xf32, #tpu.memory_space<vmem>>, vector<16xf32>,
      %add3A_184 = arith.constant 10 : i32
      %add3A_185 = vector.broadcast %add3A_184 : i32 to vector<16xi32>
      %add3A_186 = arith.addi %mul3A_29, %add3A_185 : vector<16xi32>
      %shift_right_arithmetic3A_187 = arith.constant 7 : i32
      %shift_right_arithmetic3A_188 = vector.broadcast %shift_right_arithmetic3A_187 : i32 to vector<16xi32>
      %shift_right_arithmetic3A_189 = arith.shrsi %add3A_186, %shift_right_arithmetic3A_188 : vector<16xi32>
      %and3A_190 = arith.constant 127 : i32
      %and3A_191 = vector.broadcast %and3A_190 : i32 to vector<16xi32>
      %and3A_192 = arith.andi %add3A_186, %and3A_191 : vector<16xi32>
      %gather3A_193 = tpu.vector_load_idx %arg5[%shift_right_arithmetic3A_189, %and3A_192] : memref<192x128xf32, #tpu.memory_space<vmem>>[vector<16xi32>, vector<16xi32>], vector<16xf32>,
      %add3A_194 = arith.constant 160 : i32
      %add3A_195 = arith.addi %add3A_194, %shift_right_arithmetic3A_31 : i32
      %swap3A_196 = arith.index_cast %add3A_195 : i32 to index
      %swap3A_197 = arith.index_cast %mul3A_35 : i32 to index
      %swap3A_198 = tpu.vector_load %arg7[%swap3A_196, %swap3A_197] {strides = array<i32>} : memref<192x128xf32, #tpu.memory_space<vmem>>, vector<16xf32>,
      tpu.vector_store %arg7[%swap3A_196, %swap3A_197], %gather3A_193 {strides = array<i32>} : memref<192x128xf32, #tpu.memory_space<vmem>>, vector<16xf32>,
      %add3A_199 = arith.constant 11 : i32
      %add3A_200 = vector.broadcast %add3A_199 : i32 to vector<16xi32>
      %add3A_201 = arith.addi %mul3A_29, %add3A_200 : vector<16xi32>
      %shift_right_arithmetic3A_202 = arith.constant 7 : i32
      %shift_right_arithmetic3A_203 = vector.broadcast %shift_right_arithmetic3A_202 : i32 to vector<16xi32>
      %shift_right_arithmetic3A_204 = arith.shrsi %add3A_201, %shift_right_arithmetic3A_203 : vector<16xi32>
      %and3A_205 = arith.constant 127 : i32
      %and3A_206 = vector.broadcast %and3A_205 : i32 to vector<16xi32>
      %and3A_207 = arith.andi %add3A_201, %and3A_206 : vector<16xi32>
      %gather3A_208 = tpu.vector_load_idx %arg5[%shift_right_arithmetic3A_204, %and3A_207] : memref<192x128xf32, #tpu.memory_space<vmem>>[vector<16xi32>, vector<16xi32>], vector<16xf32>,
      %add3A_209 = arith.constant 176 : i32
      %add3A_210 = arith.addi %add3A_209, %shift_right_arithmetic3A_31 : i32
      %swap3A_211 = arith.index_cast %add3A_210 : i32 to index
      %swap3A_212 = arith.index_cast %mul3A_35 : i32 to index
      %swap3A_213 = tpu.vector_load %arg7[%swap3A_211, %swap3A_212] {strides = array<i32>} : memref<192x128xf32, #tpu.memory_space<vmem>>, vector<16xf32>,
      tpu.vector_store %arg7[%swap3A_211, %swap3A_212], %gather3A_208 {strides = array<i32>} : memref<192x128xf32, #tpu.memory_space<vmem>>, vector<16xf32>,
    }
    %scan3A_19 = arith.constant 128 : i32
    "tpu.region"() ({
      %run_scoped3A = tpu.sem_alloc : memref<!tpu.dma_semaphore, #tpu.memory_space<semaphore_mem>>
      %dma_start3A = arith.constant 0 : i32
      %dma_start3A_20 = arith.constant 0 : i32
      %dma_start3A_21 = tpu.memref_slice %arg4[%add3A_13, %dma_start3A, %dma_start3A_20] : memref<64x192x128xf32, #tpu.memory_space<hbm>> -> memref<1x192x128xf32, #tpu.memory_space<hbm>>
      %dma_start3A_22 = tpu.memref_squeeze %dma_start3A_21 : memref<1x192x128xf32, #tpu.memory_space<hbm>> -> memref<192x128xf32, #tpu.memory_space<hbm>>
      %dma_start3A_23 = arith.constant 0 : i32
      %dma_start3A_24 = arith.constant 0 : i32
      %dma_start3A_25 = tpu.memref_slice %arg4[%add3A_13, %dma_start3A_23, %dma_start3A_24] : memref<64x192x128xf32, #tpu.memory_space<hbm>> -> memref<1x192x128xf32, #tpu.memory_space<hbm>>
      %dma_start3A_26 = tpu.memref_squeeze %dma_start3A_25 : memref<1x192x128xf32, #tpu.memory_space<hbm>> -> memref<192x128xf32, #tpu.memory_space<hbm>>
      tpu.enqueue_dma source(%arg7 : memref<192x128xf32, #tpu.memory_space<vmem>>) target(%dma_start3A_26 : memref<192x128xf32, #tpu.memory_space<hbm>>) target_semaphore(%run_scoped3A : memref<!tpu.dma_semaphore, #tpu.memory_space<semaphore_mem>>)
      %dma_wait3A = arith.constant 0 : i32
      %dma_wait3A_27 = arith.constant 0 : i32
      %dma_wait3A_28 = tpu.memref_slice %arg4[%add3A_13, %dma_wait3A, %dma_wait3A_27] : memref<64x192x128xf32, #tpu.memory_space<hbm>> -> memref<1x192x128xf32, #tpu.memory_space<hbm>>
      %dma_wait3A_29 = tpu.memref_squeeze %dma_wait3A_28 : memref<1x192x128xf32, #tpu.memory_space<hbm>> -> memref<192x128xf32, #tpu.memory_space<hbm>>
      %dma_wait3A_30 = arith.constant 0 : i32
      %dma_wait3A_31 = arith.constant 0 : i32
      %dma_wait3A_32 = tpu.memref_slice %arg4[%add3A_13, %dma_wait3A_30, %dma_wait3A_31] : memref<64x192x128xf32, #tpu.memory_space<hbm>> -> memref<1x192x128xf32, #tpu.memory_space<hbm>>
      %dma_wait3A_33 = tpu.memref_squeeze %dma_wait3A_32 : memref<1x192x128xf32, #tpu.memory_space<hbm>> -> memref<192x128xf32, #tpu.memory_space<hbm>>
      tpu.wait_dma2 semaphore(%run_scoped3A : memref<!tpu.dma_semaphore, #tpu.memory_space<semaphore_mem>>) src(%arg7 : memref<192x128xf32, #tpu.memory_space<vmem>>) dst(%dma_wait3A_33 : memref<192x128xf32, #tpu.memory_space<hbm>>)
      tpu.yield
    }) : () -> ()
    return
  }
}

module attributes {stable_mosaic.version = 14 : i64} {
  func.func @_tc_index_body(%arg0: i32, %arg1: i32, %arg2: memref<1x2048x12xf32, #tpu.memory_space<vmem>>, %arg3: memref<1x2048x1xf32, #tpu.memory_space<vmem>>, %arg4: memref<1x2048x12xf32, #tpu.memory_space<vmem>>, %arg5: memref<1x1x2048xf32, #tpu.memory_space<vmem>>, %arg6: memref<1x16x128xi32, #tpu.memory_space<vmem>>) attributes {dimension_semantics = [#tpu.dimension_semantics<arbitrary>, #tpu.dimension_semantics<arbitrary>], iteration_bounds = array<i64: 64, 1>, scalar_prefetch = 0 : i64, scratch_operands = 0 : i64, tpu.core_type = #tpu.core_type<tc>, window_params = [{transform_indices = @transform_0, window_bounds = array<i64: 1, 2048, 12>}, {transform_indices = @transform_1, window_bounds = array<i64: 1, 2048, 1>}, {transform_indices = @transform_2, window_bounds = array<i64: 1, 2048, 12>}, {transform_indices = @transform_3, window_bounds = array<i64: 1, 1, 2048>}, {transform_indices = @transform_4, window_bounds = array<i64: 1, 16, 128>}]} {
    %get3A = arith.constant 0 : index
    %get3A_0 = arith.constant 0 : index
    %get3A_1 = arith.constant 0 : index
    %get3A_2 = vector.load %arg2[%get3A, %get3A_0, %get3A_1] : memref<1x2048x12xf32, #tpu.memory_space<vmem>>, vector<1x2048x12xf32>
    %get3A_3 = vector.shape_cast %get3A_2 : vector<1x2048x12xf32> to vector<2048x12xf32>
    %get3A_4 = arith.constant 0 : index
    %get3A_5 = arith.constant 0 : index
    %get3A_6 = arith.constant 0 : index
    %get3A_7 = vector.load %arg4[%get3A_4, %get3A_5, %get3A_6] : memref<1x2048x12xf32, #tpu.memory_space<vmem>>, vector<1x2048x12xf32>
    %get3A_8 = vector.shape_cast %get3A_7 : vector<1x2048x12xf32> to vector<2048x12xf32>
    %dot_general3A = arith.constant dense<0.000000e+00> : vector<2048x2048xf32>
    %dot_general3A_9 = tpu.matmul %get3A_3, %get3A_8, %dot_general3A {dimension_numbers = #tpu.dot_dimension_numbers<[1], [1], [0], [0], [0, 0, 1, 0], [], []>, transpose_lhs_hint = false} : vector<2048x12xf32>, vector<2048x12xf32>, vector<2048x2048xf32> -> vector<2048x2048xf32>
    %get3A_10 = arith.constant 0 : index
    %get3A_11 = arith.constant 0 : index
    %get3A_12 = arith.constant 0 : index
    %get3A_13 = vector.load %arg3[%get3A_10, %get3A_11, %get3A_12] : memref<1x2048x1xf32, #tpu.memory_space<vmem>>, vector<1x2048x1xf32>
    %get3A_14 = vector.shape_cast %get3A_13 : vector<1x2048x1xf32> to vector<2048x1xf32>
    %mul3A = arith.constant 2.000000e+00 : f32
    %mul3A_15 = vector.broadcast %mul3A : f32 to vector<2048x2048xf32>
    %mul3A_16 = arith.mulf %mul3A_15, %dot_general3A_9 : vector<2048x2048xf32>
    %sub3A = vector.broadcast %get3A_14 : vector<2048x1xf32> to vector<2048x2048xf32>
    %sub3A_17 = arith.subf %sub3A, %mul3A_16 : vector<2048x2048xf32>
    %get3A_18 = arith.constant 0 : index
    %get3A_19 = arith.constant 0 : index
    %get3A_20 = arith.constant 0 : index
    %get3A_21 = vector.load %arg5[%get3A_18, %get3A_19, %get3A_20] : memref<1x1x2048xf32, #tpu.memory_space<vmem>>, vector<1x1x2048xf32>
    %get3A_22 = vector.shape_cast %get3A_21 : vector<1x1x2048xf32> to vector<1x2048xf32>
    %add3A = vector.broadcast %get3A_22 : vector<1x2048xf32> to vector<2048x2048xf32>
    %add3A_23 = arith.addf %sub3A_17, %add3A : vector<2048x2048xf32>
    %max3A = arith.constant 0.000000e+00 : f32
    %max3A_24 = vector.broadcast %max3A : f32 to vector<2048x2048xf32>
    %max3A_25 = arith.maximumf %add3A_23, %max3A_24 : vector<2048x2048xf32>
    %sqrt3A = math.sqrt %max3A_25 : vector<2048x2048xf32>
    %reduce_min3A = arith.constant dense<0x7F800000> : vector<2048xf32>
    %reduce_min3A_26 = vector.multi_reduction <minimumf>, %sqrt3A, %reduce_min3A [1] : vector<2048x2048xf32> to vector<2048xf32>
    %broadcast_in_dim3A = vector.shape_cast %reduce_min3A_26 : vector<2048xf32> to vector<2048x1xf32>
    %iota3A = tpu.iota {dimensions = array<i32: 1>} : vector<2048x2048xi32>
    %eq3A = vector.broadcast %broadcast_in_dim3A : vector<2048x1xf32> to vector<2048x2048xf32>
    %eq3A_27 = arith.cmpf oeq, %sqrt3A, %eq3A : vector<2048x2048xf32>
    %jit3A = arith.constant 2048 : i32
    %broadcast_in_dim3A_28 = vector.broadcast %jit3A : i32 to vector<2048x2048xi32>
    %select_n3A = arith.select %eq3A_27, %iota3A, %broadcast_in_dim3A_28 : vector<2048x2048xi1>, vector<2048x2048xi32>
    %reduce_min3A_29 = arith.constant dense<2147483647> : vector<2048xi32>
    %reduce_min3A_30 = vector.multi_reduction <minsi>, %select_n3A, %reduce_min3A_29 [1] : vector<2048x2048xi32> to vector<2048xi32>
    %broadcast_in_dim3A_31 = vector.shape_cast %reduce_min3A_30 : vector<2048xi32> to vector<2048x1xi32>
    %reshape3A = vector.shape_cast %broadcast_in_dim3A_31 : vector<2048x1xi32> to vector<16x128xi32>
    %swap3A = arith.constant 0 : index
    %swap3A_32 = arith.constant 0 : index
    %swap3A_33 = arith.constant 0 : index
    %swap3A_34 = vector.load %arg6[%swap3A, %swap3A_32, %swap3A_33] : memref<1x16x128xi32, #tpu.memory_space<vmem>>, vector<1x16x128xi32>
    %swap3A_35 = vector.shape_cast %swap3A_34 : vector<1x16x128xi32> to vector<16x128xi32>
    %swap3A_36 = vector.shape_cast %reshape3A : vector<16x128xi32> to vector<1x16x128xi32>
    tpu.vector_store %arg6[%swap3A, %swap3A_32, %swap3A_33], %swap3A_36 {strides = array<i32>} : memref<1x16x128xi32, #tpu.memory_space<vmem>>, vector<1x16x128xi32>,
    return
  }
  func.func @transform_0(%arg0: i32, %arg1: i32) -> (i32, i32, i32) {
    %c0_i32 = arith.constant 0 : i32
    %c0_i32_0 = arith.constant 0 : i32
    return %arg0, %arg1, %c0_i32 : i32, i32, i32
  }
  func.func @transform_1(%arg0: i32, %arg1: i32) -> (i32, i32, i32) {
    %c0_i32 = arith.constant 0 : i32
    %c0_i32_0 = arith.constant 0 : i32
    return %arg0, %arg1, %c0_i32 : i32, i32, i32
  }
  func.func @transform_2(%arg0: i32, %arg1: i32) -> (i32, i32, i32) {
    %c0_i32 = arith.constant 0 : i32
    %c0_i32_0 = arith.constant 0 : i32
    %c0_i32_1 = arith.constant 0 : i32
    return %arg0, %c0_i32, %c0_i32_0 : i32, i32, i32
  }
  func.func @transform_3(%arg0: i32, %arg1: i32) -> (i32, i32, i32) {
    %c0_i32 = arith.constant 0 : i32
    %c0_i32_0 = arith.constant 0 : i32
    %c0_i32_1 = arith.constant 0 : i32
    return %arg0, %c0_i32, %c0_i32_0 : i32, i32, i32
  }
  func.func @transform_4(%arg0: i32, %arg1: i32) -> (i32, i32, i32) {
    %c0_i32 = arith.constant 0 : i32
    %c0_i32_0 = arith.constant 0 : i32
    return %arg0, %arg1, %c0_i32 : i32, i32, i32
  }
}

</mosaic_0001>

<sc_bundles>
// kernel: kernel.4.cloned.1.call-start
scs
__scs_entry_jumppad:
0x0: {  	(pc) =	sbr.rel $0x88, $3  }
0x1: {  	(tag) =	ssettag $0x0;
	lr =	simm.s32 $0x1  }
0x2: {  	[smem:$0x3F9E] =	sst lr;
	_ =	strace $0xD0000000  }
0x3: {  	_ = 	snop  }
0x4: {  	_ = 	snop  }
0x5: {  	_ = 	snop  }
0x6: {  	_ = 	snop  }
0x7: {  	_ = 	snop  }
__scs_overlays_trampoline_lowered:
0x8: {  	[smem:$0x3FAD] =	sst s0  }
0x9: {  	[smem:$0x3FAE] =	sst s1  }
0xa: {  	[smem:$0x3FAF] =	sst s2  }
0xb: {  	[smem:$0x3FB0] =	sst s3  }
0xc: {  	[smem:$0x3FB1] =	sst s4  }
0xd: {  	[smem:$0x3FB2] =	sst s5  }
0xe: {  	[smem:$0x3FB3] =	sst s6  }
0xf: {  	[smem:$0x3FB4] =	sst s7  }
0x10: {  	[smem:$0x3FB5] =	sst s8  }
0x11: {  	[smem:$0x3FB6] =	sst s9;
	s0 =	simm.s32 @!p0 $0x0  }
0x12: {  	s1 =	sld [smem:$0x3F9C];
	s0 =	simm.s32 @p0 $0x1  }
0x13: {  	[smem:$0x3FB7] =	sst s0;
	s0 =	simm.s32 @!p1 $0x0  }
0x14: {  	s2 =	sld [smem:$0x3F9B];
	s0 =	simm.s32 @p1 $0x1  }
0x15: {  	[smem:$0x3FB8] =	sst s0;
	s0 =	simm.s32 @!p2 $0x0  }
0x16: {  	s3 =	sld [smem:$0x3FDB];
	s0 =	simm.s32 @p2 $0x1  }
0x17: {  	s4 =	simm.s32 $0x1BF5;
	[smem:$0x3FBA] =	sst s0  }
0x18: {  	s0 =	sld [smem:$0x3F9D];
	_ =	swait.ge [sflag:s4], $0x0  }
0x19: {  	s7 =	sld [smem:$0x3F9E]  }
0x1a: {  	s8 =	sadd.s32 $0xFFFFE003, lr  }
0x1b: {  	s9 =	sadd.s32 $0xFFFFFEF7, lr;
	s5 =	simm.s32 $0xFFFFFFFF;
	p2 =	slt.u32 s8, $0xFFFFF086  }
0x1c: {  	p1 =	slt.u32 s9, $0xF7A;
	s5 =	simm.s32 @!p2 $0x0  }
0x1d: {  	s5 =	simm.s32 @p1 $0x1;
	p0 =	seq.s32 s7, s2  }
0x1e: {  	s7 =	smul.u32 @!p0 $0xF7A, s2;
	p2 =	seq.s32 @!p0 s5, $0x0  }
0x1f: {  	s9 =	smul.u32 $0xF7A, s1;
	s8 =	simm.s32 @!p0 $0x1BF5;
	p2 =	por !p2, p0  }
0x20: {  	[sflag:s8] =	ssyncset.s32 @!p0 $0xFFFFF086;
	s6 =	sadd.s32 @!p0 s3, s7;
	s7 =	simm.s32 @!p0 $0x108  }
0x21: {  	s3 =	sadd.s32 s3, s9;
	s6 =	sadd.s32 @!p0 $0x88, s6;
	s7 =	simm.s32 @p2 $0x1082  }
0x22: {  	[simem:s7], [sflag:s8] =	dma.local @!p0 [hbm:s6], $0xF7A  }
0x23: {  	s9 =	sor.u32 $0xD0000000, s2;
	s6 =	simm.s32 $0x108;
	_ =	swait.ge @!p0 [sflag:s8], $0x0  }
0x24: {  	s3 =	sadd.s32 $0x88, s3;
	s6 =	simm.s32 @!p1 $0x1082;
	[sflag:s4] =	ssyncset.s32 $0xFFFFF086  }
0x25: {  	[simem:s6], [sflag:s4] =	dma.local [hbm:s3], $0xF7A  }
0x26: {  	[smem:$0x3F9E] =	sst s1;
	(tag) =	ssettag s2;
	_ =	strace s9  }
0x27: {  	s1 =	sld [smem:$0x3FAE]  }
0x28: {  	s2 =	sld [smem:$0x3FAF]  }
0x29: {  	s4 =	sld [smem:$0x3FB1]  }
0x2a: {  	p0 =	seq.s32 s5, $0x0;
	s5 =	sld [smem:$0x3FB2]  }
0x2b: {  	s6 =	sld [smem:$0x3FB3]  }
0x2c: {  	s7 =	sld [smem:$0x3FB4]  }
0x2d: {  	s3 =	simm.s32 $0x108;
	s8 =	sld [smem:$0x3FB5]  }
0x2e: {  	s3 =	simm.s32 @!p0 $0x1082;
	s9 =	sld [smem:$0x3FB6]  }
0x2f: {  	lr =	sadd.s32 s0, s3;
	s0 =	sld [smem:$0x3FAD]  }
0x30: {  	s3 =	sld [smem:$0x3FB0]  }
0x31: {  	[smem:$0x3FB9] =	sst s10  }
0x32: {  	s10 =	sld [smem:$0x3FB7];
	_ =	sdelay $0x3  }
0x33: {  	p0 =	seq.s32 s10, $0x1;
	s10 =	sld [smem:$0x3FB9];
	_ =	sdelay $0x3  }
0x34: {  	[smem:$0x3FB9] =	sst s10  }
0x35: {  	s10 =	sld [smem:$0x3FB8];
	_ =	sdelay $0x3  }
0x36: {  	p1 =	seq.s32 s10, $0x1;
	s10 =	sld [smem:$0x3FB9];
	_ =	sdelay $0x3  }
0x37: {  	[smem:$0x3FB9] =	sst s10  }
0x38: {  	s10 =	sld [smem:$0x3FBA]  }
0x39: {  	_ = 	snop;
	(pc) =	sbr.ind lr, $3  }
0x3a: {  	_ = 	snop  }
0x3b: {  	_ = 	snop  }
0x3c: {  	p2 =	seq.s32 s10, $0x1;
	s10 =	sld [smem:$0x3FB9]  }
0x3d: {  	_ =	shalt  }
0x3e: {  	_ =	shalt  }
0x3f: {  	_ =	shalt  }
0x40: {  	_ =	shalt  }
0x41: {  	_ =	shalt  }
0x42: {  	_ =	shalt  }
0x43: {  	_ =	shalt  }
0x44: {  	_ =	shalt  }
0x45: {  	_ =	shalt  }
0x46: {  	_ =	shalt  }
0x47: {  	_ =	shalt  }
0x48: {  	_ =	shalt  }
0x49: {  	_ =	shalt  }
0x4a: {  	_ =	shalt  }
0x4b: {  	_ =	shalt  }
0x4c: {  	_ =	shalt  }
0x4d: {  	_ =	shalt  }
0x4e: {  	_ =	shalt  }
0x4f: {  	_ =	shalt  }
0x50: {  	_ =	shalt  }
0x51: {  	_ =	shalt  }
0x52: {  	_ =	shalt  }
0x53: {  	_ =	shalt  }
0x54: {  	_ =	shalt  }
0x55: {  	_ =	shalt  }
0x56: {  	_ =	shalt  }
0x57: {  	_ =	shalt  }
0x58: {  	_ =	shalt  }
0x59: {  	_ =	shalt  }
0x5a: {  	_ =	shalt  }
0x5b: {  	_ =	shalt  }
0x5c: {  	_ =	shalt  }
0x5d: {  	_ =	shalt  }
0x5e: {  	_ =	shalt  }
0x5f: {  	_ =	shalt  }
0x60: {  	_ =	shalt  }
0x61: {  	_ =	shalt  }
0x62: {  	_ =	shalt  }
0x63: {  	_ =	shalt  }
0x64: {  	_ =	shalt  }
0x65: {  	_ =	shalt  }
0x66: {  	_ =	shalt  }
0x67: {  	_ =	shalt  }
0x68: {  	_ =	shalt  }
0x69: {  	_ =	shalt  }
0x6a: {  	_ =	shalt  }
0x6b: {  	_ =	shalt  }
0x6c: {  	_ =	shalt  }
0x6d: {  	_ =	shalt  }
0x6e: {  	_ =	shalt  }
0x6f: {  	_ =	shalt  }
0x70: {  	_ =	shalt  }
0x71: {  	_ =	shalt  }
0x72: {  	_ =	shalt  }
0x73: {  	_ =	shalt  }
0x74: {  	_ =	shalt  }
0x75: {  	_ =	shalt  }
0x76: {  	_ =	shalt  }
0x77: {  	_ =	shalt  }
0x78: {  	_ =	shalt  }
0x79: {  	_ =	shalt  }
0x7a: {  	_ =	shalt  }
0x7b: {  	_ =	shalt  }
0x7c: {  	_ =	shalt  }
0x7d: {  	_ =	shalt  }
0x7e: {  	_ =	shalt  }
0x7f: {  	_ =	shalt  }
0x80: {  	_ =	shalt  }
0x81: {  	_ =	shalt  }
0x82: {  	_ =	shalt  }
0x83: {  	_ =	shalt  }
0x84: {  	_ =	shalt  }
0x85: {  	_ =	shalt  }
0x86: {  	_ =	shalt  }
0x87: {  	_ =	shalt  }
.Lfunc_end0:
.L_simem_size_0:
called_computation_lowered:
.L_overlay_start_0:
0x88: {  	s2 =	sld [smem:$0x3FD9]  }
0x89: {  	s3 =	sld [smem:$0x3FFE];
	_ =	sdelay $0x1  }
0x8a: {  	s1 =	srdreg.scid  }
0x8b: {  	s0 =	sand.u32 $0x1, s1  }
0x8c: {  	s17 =	sshll.u32 s0, $0xA;
	s2 =	sadd.s32 s3, s2  }
0x8d: {  	s2 =	sadd.s32 s2, s17  }
0x8e: {  	[smem:$0x3FC5] =	sst s2  }
0x8f: {  	_ = 	snop  }
0x90: {  	s2 =	sld [smem:$0x3FD0];
	(tm) =	ssettm $0x1  }
0x91: {  	s18 =	sld [smem:$0x3FFB];
	_ =	sdelay $0x3  }
0x92: {  	_ =	strace s18  }
0x93: {  	s3 =	sld [smem:$0x3FFC];
	_ =	sdelay $0x3  }
0x94: {  	_ =	strace s3  }
0x95: {  	s3 =	sld [smem:$0x3FFD];
	_ =	sdelay $0x3  }
0x96: {  	_ =	strace s3  }
0x97: {  	_ =	strace $0x8FFFFFFF  }
0x98: {  	s19 =	sld [smem:$0x3FDB];
	_ =	sdelay $0x1  }
0x99: {  	s4 =	simm.s32 $_scs_section_size  }
0x9a: {  	s5 =	simm.s32 $_size__tile_overlayer_lowered;
	s6 =	simm.s32 $_tile_overlayer_lowered  }
0x9b: {  	s22 =	simm.s32 $0x1BFF;
	s21 =	sshll.u32 s6, $0x1;
	s3 =	sadd.s32 s4, s19  }
0x9c: {  	s7 =	simm.s32 $0x0;
	s20 =	sshll.u32 s5, $0x1;
	s5 =	sadd.s32 s21, s3  }
0x9d: {  	[timem:s7], [sflag:s22] =	dma.local [hbm:s5], s20  }
0x9e: {  	_ =	swait.ge [sflag:s22], s20  }
0x9f: {  	s4 =	ssub.s32 $0x0, s20;
	[sflag:s22] =	ssyncset.done $0x0  }
0xa0: {  	[sflag:s22] =	ssyncadd.s32 s4;
	_ =	sdelay $0x1  }
0xa1: {  	s23 =	simm.s32 $0x1B8B  }
0xa2: {  	_ =	swait.ge [sflag:s23], $0x1  }
0xa3: {  	[sflag:s23] =	ssyncset.done $0x0  }
0xa4: {  	s25 =	simm.s32 $0x1B8E;
	s24 =	sld [smem:$0x3FFE];
	[sflag:s23] =	ssyncadd.s32 $0xFFFFFFFF  }
0xa5: {  	s26 =	simm.s32 $execute0_lowered;
	[smem:$0x3FD2] =	sst s25  }
0xa6: {  	s5 =	sshll.u32 s26, $0x1;
	_ =	strace $0x80000046;
	[dreg:$0x1] =	wrdreg $0xFFFFFFFF  }
0xa7: {  	s28 =	simm.s32 $_size_execute0_lowered;
	s3 =	sadd.s32 s3, s5;
	[dreg:$0x0] =	wrdreg $0x0  }
0xa8: {  	s5 =	sshll.u32 s28, $0x1;
	[dreg:$0x2] =	wrdreg s3  }
0xa9: {  	[dreg:$0x3] =	wrdreg s5  }
0xaa: {  	[dreg:$0x4] =	wrdreg $0xC0  }
0xab: {  	_ =	task [dreg:s7], $0x5FFFF  }
0xac: {  	[dreg:$0x1] =	wrdreg $0xFFFFFFFF  }
0xad: {  	[dreg:$0x0] =	wrdreg $0x60  }
0xae: {  	[dreg:$0x2] =	wrdreg s2  }
0xaf: {  	[dreg:$0x3] =	wrdreg s24  }
0xb0: {  	[dreg:$0x4] =	wrdreg $0x9  }
0xb1: {  	_ =	task.clear_ibuf [dreg:s7], $0x5FFFF;
	_ =	strace $0x90000046  }
0xb2: {  	s29 =	simm.s32 $0x9;
	_ =	strace $0x80000048  }
0xb3: {  	_ =	swait.ge [sflag:s29], $0x1  }
0xb4: {  	[sflag:s29] =	ssyncadd.s32 $0xFFFFFFFF  }
0xb5: {  	_ =	strace $0x90000048  }
0xb6: {  	_ =	sfence  }
0xb7: {  	s30 =	sld [smem:$0x0];
	_ =	sdelay $0x2  }
0xb8: {  	s31 =	sshll.u32 s1, $0xD;
	s1 =	sshrl.u32 s1, $0x2  }
0xb9: {  	s3 =	sand.u32 $0x4000, s31;
	s1 =	sadd.s32 s1, s30  }
0xba: {  	s0 =	sor.u32 s3, s0;
	s1 =	sshll.u32 s1, $0x11  }
0xbb: {  	s0 =	sor.u32 s1, s0  }
0xbc: {  	s0 =	sadd.s32 $0x8F2B, s0  }
0xbd: {  	[sflag:s0] =	ssyncadd.remote.s32 $0x1  }
0xbe: {  	_ =	sfence.sel $0xFFFF  }
0xbf: {  	[dreg:$0x0] =	wrdreg $0xFFFFFFFF;
	(pc) =	sbr.abs _section_cstart, $3  }
0xc0: {  	[dreg:$0x1] =	wrdreg $0xFFFFFFFF  }
0xc1: {  	_ =	task.clear_ibuf [dreg:s7], $0x2FFFF;
	_ =	strace $0x9FFFFFFF  }
0xc2: {  	(tm) =	ssettm $0x7FFFFFFF  }
0xc3: {  	_ =	shalt  }
tec
execute0_lowered:
.L_overlay_start_1:
0x0: {  	(tag) =	ssettag $0x1  }
0x1: {  	s6 =	rddreg [dreg:$0x0]  }
0x2: {  	s3 =	rddreg [dreg:$0x1]  }
0x3: {  	s0 =	rddreg [dreg:$0x2]  }
0x4: {  	s2 =	simm.s32 $0x0;
	s4 =	srdreg.scid;
	s1 =	stileid.u32  }
0x5: {  	s13 =	simm.s32 $0x0;
	[smem:$0x7FF] =	sst s2;
	s4 =	sand.u32 $0x1, s4  }
0x6: {  	s7 =	sadd.s32 $0xC00, s3;
	s5 =	sshll.u32 s1, $0x2;
	s8 =	sshll.u32 s4, $0x1  }
0x7: {  	s9 =	sadd.s32 $0x4C00, s3;
	s29 =	ssub.s32 $0x2, s4;
	s30 =	sor.u32 s8, s5  }
0x8: {  	_ =	strace $0x80000047;
	s31 =	sshrl.u32 s29, $0x1;
	s8 =	smul.u32 $0xC00, s30  }
0x9: {  	s10 =	sor.u32 $0x1, s30;
	s11 =	ssub.s32 s29, s31;
	s4 =	sshll.u32 s30, $0x8  }
0xa: {  	s12 =	smul.u32 $0xC00, s10;
	s4 =	sadd.s32 s7, s4;
	s10 =	sshll.u32 s10, $0x8  }
0xb: {  	s3 =	sadd.s32 s6, s8;
	s5 =	sadd.s32 s9, s8;
	s7 =	sadd.s32 s7, s10  }
0xc: {  	s10 =	simm.s32 $0x1;
	s6 =	sadd.s32 s6, s12;
	s8 =	sadd.s32 s9, s12  }
0xd: {  	s9 =	smax.u32 s11, $0x1;
	s11 =	simm.s32 $0x6000;
	s12 =	simm.s32 $0x6800  }
.LBB2_1:
0xe: {  	[tilespmem:s2], [sflag:$0x1] =	stream.linear.gather [hbm4b:s3+s2], $0x6000, $0x38;
	[tilespmem:$0xC800] =	vst v63  }
0xf: {  	_ =	swait.ge [sflag:s10], $0x6000  }
0x10: {  	[sflag:s10] =	ssyncset.done $0x0  }
0x11: {  	[sflag:s10] =	ssyncadd.s32 $0xFFFFA000  }
0x12: {  	[tilespmem:s11], [sflag:$0x1] =	stream.linear.gather [hbm4b:s4+s2], $0x800, $0x38;
	[tilespmem:$0xC800] =	vst v63  }
0x13: {  	s14 =	simm.s32 $0x0;
	_ =	swait.ge [sflag:s10], $0x800  }
0x14: {  	s15 =	sand.u32 $0x70, s2;
	s16 =	sand.u32 $0xFFFFFF80, s14;
	[sflag:s10] =	ssyncset.done $0x0  }
0x15: {  	s16 =	sor.u32 s15, s16;
	[sflag:s10] =	ssyncadd.s32 $0xFFFFF800  }
0x16: {  	v0 =	vld [tilespmem:s16+$0x6000];
	_ =	sdelay $0x4  }
0x17: {  	v0 =	vmul.u32 $0xC, v0;
	_ =	sdelay $0x5  }
0x18: {  	v1 =	vld.idx.msk [tilespmem:v0+s2+$0x0], $0xffff  }
0x19: {  	v2 =	vor.u32 $0x1, v0;
	_ =	sdelay $0x3  }
0x1a: {  	[tilespmem:s16+$0x6800] =	vst v1  }
0x1b: {  	v1 =	vld.idx.msk [tilespmem:v2+s2+$0x0], $0xffff  }
0x1c: {  	v2 =	vor.u32 $0x2, v0;
	_ =	sdelay $0x1  }
0x1d: {  	s14 =	sand.u32 $0x3FFFFF80, s14  }
0x1e: {  	s16 =	sor.u32 s15, s14  }
0x1f: {  	[tilespmem:s16+$0x7000] =	vst v1  }
0x20: {  	v1 =	vld.idx.msk [tilespmem:v2+s2+$0x0], $0xffff  }
0x21: {  	v2 =	vor.u32 $0x3, v0;
	_ =	sdelay $0x3  }
0x22: {  	[tilespmem:s16+$0x7800] =	vst v1  }
0x23: {  	v1 =	vld.idx.msk [tilespmem:v2+s2+$0x0], $0xffff  }
0x24: {  	v2 =	vadd.s32 $0x4, v0;
	_ =	sdelay $0x3  }
0x25: {  	[tilespmem:s16+$0x8000] =	vst v1  }
0x26: {  	v1 =	vld.idx.msk [tilespmem:v2+s2+$0x0], $0xffff  }
0x27: {  	v2 =	vadd.s32 $0x5, v0;
	_ =	sdelay $0x3  }
0x28: {  	[tilespmem:s16+$0x8800] =	vst v1  }
0x29: {  	v1 =	vld.idx.msk [tilespmem:v2+s2+$0x0], $0xffff  }
0x2a: {  	v2 =	vadd.s32 $0x6, v0;
	_ =	sdelay $0x3  }
0x2b: {  	[tilespmem:s16+$0x9000] =	vst v1  }
0x2c: {  	v1 =	vld.idx.msk [tilespmem:v2+s2+$0x0], $0xffff  }
0x2d: {  	v2 =	vadd.s32 $0x7, v0;
	_ =	sdelay $0x3  }
0x2e: {  	[tilespmem:s16+$0x9800] =	vst v1  }
0x2f: {  	v1 =	vld.idx.msk [tilespmem:v2+s2+$0x0], $0xffff  }
0x30: {  	v2 =	vadd.s32 $0x8, v0;
	_ =	sdelay $0x3  }
0x31: {  	[tilespmem:s16+$0xA000] =	vst v1  }
0x32: {  	v1 =	vld.idx.msk [tilespmem:v2+s2+$0x0], $0xffff  }
0x33: {  	v2 =	vadd.s32 $0x9, v0;
	_ =	sdelay $0x3  }
0x34: {  	[tilespmem:s16+$0xA800] =	vst v1  }
0x35: {  	v1 =	vld.idx.msk [tilespmem:v2+s2+$0x0], $0xffff  }
0x36: {  	v2 =	vadd.s32 $0xA, v0;
	_ =	sdelay $0x3  }
0x37: {  	[tilespmem:s16+$0xB000] =	vst v1  }
0x38: {  	v1 =	vld.idx.msk [tilespmem:v2+s2+$0x0], $0xffff  }
0x39: {  	v0 =	vadd.s32 $0xB, v0;
	_ =	sdelay $0x3  }
0x3a: {  	[tilespmem:s16+$0xB800] =	vst v1  }
0x3b: {  	v0 =	vld.idx.msk [tilespmem:v0+s2+$0x0], $0xffff  }
0x3c: {  	s19 =	simm.s32 $0x10  }
0x3d: {  	s17 =	sand.u32 $0xFFFFFF80, s19;
	s15 =	simm.s32 $0x10  }
0x3e: {  	s19 =	sand.u32 $0x3FFFFF80, s19;
	s14 =	simm.s32 $0x2;
	s18 =	sand.u32 $0x70, s15  }
.LBB2_2:
0x3f: {  	p0 =	sne.s32 s14, $0x7F  }
0x40: {  	s20 =	sor.u32 s18, s17;
	[tilespmem:s16+$0xC000] =	vst v0;
	s17 =	smov.u32 s14;
	s14 =	sadd.s32 $0x1, s14  }
0x41: {  	v0 =	vld [tilespmem:s20+$0x6000];
	_ =	sdelay $0x4  }
0x42: {  	v0 =	vmul.u32 $0xC, v0;
	_ =	sdelay $0x5  }
0x43: {  	v1 =	vld.idx.msk [tilespmem:v0+s2+$0x0], $0xffff;
	_ =	sdelay $0x1  }
0x44: {  	v2 =	vor.u32 $0x1, v0;
	_ =	sdelay $0x3  }
0x45: {  	[tilespmem:s20+$0x6800] =	vst v1  }
0x46: {  	v1 =	vld.idx.msk [tilespmem:v2+s2+$0x0], $0xffff;
	_ =	sdelay $0x1  }
0x47: {  	v2 =	vor.u32 $0x2, v0;
	_ =	sdelay $0x2  }
0x48: {  	s16 =	sor.u32 s18, s19  }
0x49: {  	[tilespmem:s16+$0x7000] =	vst v1  }
0x4a: {  	v1 =	vld.idx.msk [tilespmem:v2+s2+$0x0], $0xffff;
	_ =	sdelay $0x1  }
0x4b: {  	v2 =	vor.u32 $0x3, v0;
	_ =	sdelay $0x3  }
0x4c: {  	[tilespmem:s16+$0x7800] =	vst v1  }
0x4d: {  	v1 =	vld.idx.msk [tilespmem:v2+s2+$0x0], $0xffff;
	_ =	sdelay $0x1  }
0x4e: {  	v2 =	vadd.s32 $0x4, v0;
	_ =	sdelay $0x3  }
0x4f: {  	[tilespmem:s16+$0x8000] =	vst v1  }
0x50: {  	v1 =	vld.idx.msk [tilespmem:v2+s2+$0x0], $0xffff;
	_ =	sdelay $0x1  }
0x51: {  	v2 =	vadd.s32 $0x5, v0;
	_ =	sdelay $0x3  }
0x52: {  	[tilespmem:s16+$0x8800] =	vst v1  }
0x53: {  	v1 =	vld.idx.msk [tilespmem:v2+s2+$0x0], $0xffff;
	_ =	sdelay $0x1  }
0x54: {  	v2 =	vadd.s32 $0x6, v0;
	_ =	sdelay $0x3  }
0x55: {  	[tilespmem:s16+$0x9000] =	vst v1  }
0x56: {  	v1 =	vld.idx.msk [tilespmem:v2+s2+$0x0], $0xffff;
	_ =	sdelay $0x1  }
0x57: {  	v2 =	vadd.s32 $0x7, v0;
	_ =	sdelay $0x3  }
0x58: {  	[tilespmem:s16+$0x9800] =	vst v1  }
0x59: {  	v1 =	vld.idx.msk [tilespmem:v2+s2+$0x0], $0xffff;
	_ =	sdelay $0x1  }
0x5a: {  	v2 =	vadd.s32 $0x8, v0;
	_ =	sdelay $0x3  }
0x5b: {  	[tilespmem:s16+$0xA000] =	vst v1  }
0x5c: {  	v1 =	vld.idx.msk [tilespmem:v2+s2+$0x0], $0xffff;
	_ =	sdelay $0x1  }
0x5d: {  	v2 =	vadd.s32 $0x9, v0;
	_ =	sdelay $0x3  }
0x5e: {  	[tilespmem:s16+$0xA800] =	vst v1  }
0x5f: {  	v1 =	vld.idx.msk [tilespmem:v2+s2+$0x0], $0xffff;
	_ =	sdelay $0x1  }
0x60: {  	v2 =	vadd.s32 $0xA, v0;
	_ =	sdelay $0x3  }
0x61: {  	[tilespmem:s16+$0xB000] =	vst v1  }
0x62: {  	v1 =	vld.idx.msk [tilespmem:v2+s2+$0x0], $0xffff;
	_ =	sdelay $0x1  }
0x63: {  	v0 =	vadd.s32 $0xB, v0;
	_ =	sdelay $0x3  }
0x64: {  	[tilespmem:s16+$0xB800] =	vst v1  }
0x65: {  	v0 =	vld.idx.msk [tilespmem:v0+s2+$0x0], $0xffff  }
.Ltmp0:
0x66: {  	(pc) =	sbr.rel @p0 .LBB2_2-.Ltmp0, $3  }
0x67: {  	_ =	sdelay $0x1  }
0x68: {  	s15 =	sadd.s32 $0x10, s15;
	s19 =	sshll.u32 s17, $0x4  }
0x69: {  	s18 =	sand.u32 $0x70, s15;
	s17 =	sand.u32 $0xFFFFFF80, s19;
	s19 =	sand.u32 $0x3FFFFF80, s19  }
0x6a: {  	s14 =	sor.u32 s18, s17;
	[tilespmem:s16+$0xC000] =	vst v0  }
0x6b: {  	v0 =	vld [tilespmem:s14+$0x6000];
	_ =	sdelay $0x4  }
0x6c: {  	v0 =	vmul.u32 $0xC, v0;
	_ =	sdelay $0x5  }
0x6d: {  	v1 =	vld.idx.msk [tilespmem:v0+s2+$0x0], $0xffff  }
0x6e: {  	v2 =	vor.u32 $0x1, v0;
	_ =	sdelay $0x3  }
0x6f: {  	[tilespmem:s14+$0x6800] =	vst v1  }
0x70: {  	v1 =	vld.idx.msk [tilespmem:v2+s2+$0x0], $0xffff  }
0x71: {  	v2 =	vor.u32 $0x2, v0;
	_ =	sdelay $0x2  }
0x72: {  	s28 =	sor.u32 s18, s19  }
0x73: {  	[tilespmem:s28+$0x7000] =	vst v1  }
0x74: {  	v1 =	vld.idx.msk [tilespmem:v2+s2+$0x0], $0xffff  }
0x75: {  	v2 =	vor.u32 $0x3, v0;
	_ =	sdelay $0x3  }
0x76: {  	[tilespmem:s28+$0x7800] =	vst v1  }
0x77: {  	v1 =	vld.idx.msk [tilespmem:v2+s2+$0x0], $0xffff  }
0x78: {  	v2 =	vadd.s32 $0x4, v0;
	_ =	sdelay $0x3  }
0x79: {  	[tilespmem:s28+$0x8000] =	vst v1  }
0x7a: {  	v1 =	vld.idx.msk [tilespmem:v2+s2+$0x0], $0xffff  }
0x7b: {  	v2 =	vadd.s32 $0x5, v0;
	_ =	sdelay $0x3  }
0x7c: {  	[tilespmem:s28+$0x8800] =	vst v1  }
0x7d: {  	v1 =	vld.idx.msk [tilespmem:v2+s2+$0x0], $0xffff  }
0x7e: {  	v2 =	vadd.s32 $0x6, v0;
	_ =	sdelay $0x3  }
0x7f: {  	[tilespmem:s28+$0x9000] =	vst v1  }
0x80: {  	v1 =	vld.idx.msk [tilespmem:v2+s2+$0x0], $0xffff  }
0x81: {  	v2 =	vadd.s32 $0x7, v0;
	_ =	sdelay $0x3  }
0x82: {  	[tilespmem:s28+$0x9800] =	vst v1  }
0x83: {  	v1 =	vld.idx.msk [tilespmem:v2+s2+$0x0], $0xffff  }
0x84: {  	v2 =	vadd.s32 $0x8, v0;
	_ =	sdelay $0x3  }
0x85: {  	[tilespmem:s28+$0xA000] =	vst v1  }
0x86: {  	v1 =	vld.idx.msk [tilespmem:v2+s2+$0x0], $0xffff  }
0x87: {  	v2 =	vadd.s32 $0x9, v0;
	_ =	sdelay $0x3  }
0x88: {  	[tilespmem:s28+$0xA800] =	vst v1  }
0x89: {  	v1 =	vld.idx.msk [tilespmem:v2+s2+$0x0], $0xffff  }
0x8a: {  	v2 =	vadd.s32 $0xA, v0;
	_ =	sdelay $0x3  }
0x8b: {  	[tilespmem:s28+$0xB000] =	vst v1  }
0x8c: {  	v1 =	vld.idx.msk [tilespmem:v2+s2+$0x0], $0xffff  }
0x8d: {  	v0 =	vadd.s32 $0xB, v0;
	_ =	sdelay $0x3  }
0x8e: {  	[tilespmem:s28+$0xB800] =	vst v1  }
0x8f: {  	v0 =	vld.idx.msk [tilespmem:v0+s2+$0x0], $0xffff;
	_ =	sdelay $0x4  }
0x90: {  	s29 =	simm.s32 $0x0;
	[tilespmem:s28+$0xC000] =	vst v0  }
0x91: {  	[hbm4b:s5+s29] =	stream.linear.scatter [tilespmem:s12], [sflag:$0x1], $0x6000, $0x38;
	[tilespmem:$0xC800] =	vst v63  }
0x92: {  	_ =	swait.ge [sflag:s10], $0x6000  }
0x93: {  	[sflag:s10] =	ssyncset.done $0x0  }
0x94: {  	[sflag:s10] =	ssyncadd.s32 $0xFFFFA000  }
0x95: {  	[tilespmem:s29], [sflag:$0x1] =	stream.linear.gather [hbm4b:s6+s29], $0x6000, $0x38;
	[tilespmem:$0xC800] =	vst v63  }
0x96: {  	_ =	swait.ge [sflag:s10], $0x6000  }
0x97: {  	[sflag:s10] =	ssyncset.done $0x0  }
0x98: {  	[sflag:s10] =	ssyncadd.s32 $0xFFFFA000  }
0x99: {  	[tilespmem:s11], [sflag:$0x1] =	stream.linear.gather [hbm4b:s7+s29], $0x800, $0x38;
	[tilespmem:$0xC800] =	vst v63  }
0x9a: {  	s15 =	simm.s32 $0x0;
	_ =	swait.ge [sflag:s10], $0x800  }
0x9b: {  	s30 =	sand.u32 $0xFFFFFF80, s15;
	s14 =	sand.u32 $0x70, s29;
	[sflag:s10] =	ssyncset.done $0x0  }
0x9c: {  	s16 =	sor.u32 s14, s30;
	[sflag:s10] =	ssyncadd.s32 $0xFFFFF800  }
0x9d: {  	v0 =	vld [tilespmem:s16+$0x6000];
	_ =	sdelay $0x4  }
0x9e: {  	v0 =	vmul.u32 $0xC, v0;
	_ =	sdelay $0x5  }
0x9f: {  	v1 =	vld.idx.msk [tilespmem:v0+s2+$0x0], $0xffff  }
0xa0: {  	v2 =	vor.u32 $0x1, v0;
	_ =	sdelay $0x3  }
0xa1: {  	[tilespmem:s16+$0x6800] =	vst v1  }
0xa2: {  	v1 =	vld.idx.msk [tilespmem:v2+s2+$0x0], $0xffff  }
0xa3: {  	v2 =	vor.u32 $0x2, v0;
	_ =	sdelay $0x1  }
0xa4: {  	s15 =	sand.u32 $0x3FFFFF80, s15  }
0xa5: {  	s16 =	sor.u32 s14, s15  }
0xa6: {  	[tilespmem:s16+$0x7000] =	vst v1  }
0xa7: {  	v1 =	vld.idx.msk [tilespmem:v2+s2+$0x0], $0xffff  }
0xa8: {  	v2 =	vor.u32 $0x3, v0;
	_ =	sdelay $0x3  }
0xa9: {  	[tilespmem:s16+$0x7800] =	vst v1  }
0xaa: {  	v1 =	vld.idx.msk [tilespmem:v2+s2+$0x0], $0xffff  }
0xab: {  	v2 =	vadd.s32 $0x4, v0;
	_ =	sdelay $0x3  }
0xac: {  	[tilespmem:s16+$0x8000] =	vst v1  }
0xad: {  	v1 =	vld.idx.msk [tilespmem:v2+s2+$0x0], $0xffff  }
0xae: {  	v2 =	vadd.s32 $0x5, v0;
	_ =	sdelay $0x3  }
0xaf: {  	[tilespmem:s16+$0x8800] =	vst v1  }
0xb0: {  	v1 =	vld.idx.msk [tilespmem:v2+s2+$0x0], $0xffff  }
0xb1: {  	v2 =	vadd.s32 $0x6, v0;
	_ =	sdelay $0x3  }
0xb2: {  	[tilespmem:s16+$0x9000] =	vst v1  }
0xb3: {  	v1 =	vld.idx.msk [tilespmem:v2+s2+$0x0], $0xffff  }
0xb4: {  	v2 =	vadd.s32 $0x7, v0;
	_ =	sdelay $0x3  }
0xb5: {  	[tilespmem:s16+$0x9800] =	vst v1  }
0xb6: {  	v1 =	vld.idx.msk [tilespmem:v2+s2+$0x0], $0xffff  }
0xb7: {  	v2 =	vadd.s32 $0x8, v0;
	_ =	sdelay $0x3  }
0xb8: {  	[tilespmem:s16+$0xA000] =	vst v1  }
0xb9: {  	v1 =	vld.idx.msk [tilespmem:v2+s2+$0x0], $0xffff  }
0xba: {  	v2 =	vadd.s32 $0x9, v0;
	_ =	sdelay $0x3  }
0xbb: {  	[tilespmem:s16+$0xA800] =	vst v1  }
0xbc: {  	v1 =	vld.idx.msk [tilespmem:v2+s2+$0x0], $0xffff  }
0xbd: {  	v2 =	vadd.s32 $0xA, v0;
	_ =	sdelay $0x3  }
0xbe: {  	[tilespmem:s16+$0xB000] =	vst v1  }
0xbf: {  	v1 =	vld.idx.msk [tilespmem:v2+s2+$0x0], $0xffff  }
0xc0: {  	v0 =	vadd.s32 $0xB, v0;
	_ =	sdelay $0x3  }
0xc1: {  	[tilespmem:s16+$0xB800] =	vst v1  }
0xc2: {  	v0 =	vld.idx.msk [tilespmem:v0+s2+$0x0], $0xffff  }
0xc3: {  	s31 =	simm.s32 $0x10  }
0xc4: {  	s17 =	sand.u32 $0xFFFFFF80, s31;
	s15 =	simm.s32 $0x10  }
0xc5: {  	s19 =	sand.u32 $0x3FFFFF80, s31;
	s14 =	simm.s32 $0x2;
	s18 =	sand.u32 $0x70, s15  }
.LBB2_4:
0xc6: {  	p0 =	sne.s32 s14, $0x7F  }
0xc7: {  	s20 =	sor.u32 s18, s17;
	[tilespmem:s16+$0xC000] =	vst v0;
	s17 =	smov.u32 s14;
	s14 =	sadd.s32 $0x1, s14  }
0xc8: {  	v0 =	vld [tilespmem:s20+$0x6000];
	_ =	sdelay $0x4  }
0xc9: {  	v0 =	vmul.u32 $0xC, v0;
	_ =	sdelay $0x5  }
0xca: {  	v1 =	vld.idx.msk [tilespmem:v0+s2+$0x0], $0xffff;
	_ =	sdelay $0x1  }
0xcb: {  	v2 =	vor.u32 $0x1, v0;
	_ =	sdelay $0x3  }
0xcc: {  	[tilespmem:s20+$0x6800] =	vst v1  }
0xcd: {  	v1 =	vld.idx.msk [tilespmem:v2+s2+$0x0], $0xffff;
	_ =	sdelay $0x1  }
0xce: {  	v2 =	vor.u32 $0x2, v0;
	_ =	sdelay $0x2  }
0xcf: {  	s16 =	sor.u32 s18, s19  }
0xd0: {  	[tilespmem:s16+$0x7000] =	vst v1  }
0xd1: {  	v1 =	vld.idx.msk [tilespmem:v2+s2+$0x0], $0xffff;
	_ =	sdelay $0x1  }
0xd2: {  	v2 =	vor.u32 $0x3, v0;
	_ =	sdelay $0x3  }
0xd3: {  	[tilespmem:s16+$0x7800] =	vst v1  }
0xd4: {  	v1 =	vld.idx.msk [tilespmem:v2+s2+$0x0], $0xffff;
	_ =	sdelay $0x1  }
0xd5: {  	v2 =	vadd.s32 $0x4, v0;
	_ =	sdelay $0x3  }
0xd6: {  	[tilespmem:s16+$0x8000] =	vst v1  }
0xd7: {  	v1 =	vld.idx.msk [tilespmem:v2+s2+$0x0], $0xffff;
	_ =	sdelay $0x1  }
0xd8: {  	v2 =	vadd.s32 $0x5, v0;
	_ =	sdelay $0x3  }
0xd9: {  	[tilespmem:s16+$0x8800] =	vst v1  }
0xda: {  	v1 =	vld.idx.msk [tilespmem:v2+s2+$0x0], $0xffff;
	_ =	sdelay $0x1  }
0xdb: {  	v2 =	vadd.s32 $0x6, v0;
	_ =	sdelay $0x3  }
0xdc: {  	[tilespmem:s16+$0x9000] =	vst v1  }
0xdd: {  	v1 =	vld.idx.msk [tilespmem:v2+s2+$0x0], $0xffff;
	_ =	sdelay $0x1  }
0xde: {  	v2 =	vadd.s32 $0x7, v0;
	_ =	sdelay $0x3  }
0xdf: {  	[tilespmem:s16+$0x9800] =	vst v1  }
0xe0: {  	v1 =	vld.idx.msk [tilespmem:v2+s2+$0x0], $0xffff;
	_ =	sdelay $0x1  }
0xe1: {  	v2 =	vadd.s32 $0x8, v0;
	_ =	sdelay $0x3  }
0xe2: {  	[tilespmem:s16+$0xA000] =	vst v1  }
0xe3: {  	v1 =	vld.idx.msk [tilespmem:v2+s2+$0x0], $0xffff;
	_ =	sdelay $0x1  }
0xe4: {  	v2 =	vadd.s32 $0x9, v0;
	_ =	sdelay $0x3  }
0xe5: {  	[tilespmem:s16+$0xA800] =	vst v1  }
0xe6: {  	v1 =	vld.idx.msk [tilespmem:v2+s2+$0x0], $0xffff;
	_ =	sdelay $0x1  }
0xe7: {  	v2 =	vadd.s32 $0xA, v0;
	_ =	sdelay $0x3  }
0xe8: {  	[tilespmem:s16+$0xB000] =	vst v1  }
0xe9: {  	v1 =	vld.idx.msk [tilespmem:v2+s2+$0x0], $0xffff;
	_ =	sdelay $0x1  }
0xea: {  	v0 =	vadd.s32 $0xB, v0;
	_ =	sdelay $0x3  }
0xeb: {  	[tilespmem:s16+$0xB800] =	vst v1  }
0xec: {  	v0 =	vld.idx.msk [tilespmem:v0+s2+$0x0], $0xffff  }
.Ltmp1:
0xed: {  	(pc) =	sbr.rel @p0 .LBB2_4-.Ltmp1, $3  }
0xee: {  	_ =	sdelay $0x1  }
0xef: {  	s15 =	sadd.s32 $0x10, s15;
	s19 =	sshll.u32 s17, $0x4  }
0xf0: {  	s18 =	sand.u32 $0x70, s15;
	s17 =	sand.u32 $0xFFFFFF80, s19;
	s19 =	sand.u32 $0x3FFFFF80, s19  }
0xf1: {  	s14 =	sor.u32 s18, s17;
	[tilespmem:s16+$0xC000] =	vst v0  }
0xf2: {  	v0 =	vld [tilespmem:s14+$0x6000];
	_ =	sdelay $0x4  }
0xf3: {  	v0 =	vmul.u32 $0xC, v0;
	_ =	sdelay $0x5  }
0xf4: {  	v1 =	vld.idx.msk [tilespmem:v0+s2+$0x0], $0xffff  }
0xf5: {  	v2 =	vor.u32 $0x1, v0;
	_ =	sdelay $0x3  }
0xf6: {  	[tilespmem:s14+$0x6800] =	vst v1  }
0xf7: {  	v1 =	vld.idx.msk [tilespmem:v2+s2+$0x0], $0xffff  }
0xf8: {  	v55 =	vor.u32 $0x2, v0;
	_ =	sdelay $0x2  }
0xf9: {  	s31 =	sor.u32 s18, s19  }
0xfa: {  	[tilespmem:s31+$0x7000] =	vst v1  }
0xfb: {  	v1 =	vld.idx.msk [tilespmem:v55+s2+$0x0], $0xffff  }
0xfc: {  	v56 =	vor.u32 $0x3, v0;
	_ =	sdelay $0x3  }
0xfd: {  	[tilespmem:s31+$0x7800] =	vst v1  }
0xfe: {  	v1 =	vld.idx.msk [tilespmem:v56+s2+$0x0], $0xffff  }
0xff: {  	v57 =	vadd.s32 $0x4, v0;
	_ =	sdelay $0x3  }
0x100: {  	[tilespmem:s31+$0x8000] =	vst v1  }
0x101: {  	v1 =	vld.idx.msk [tilespmem:v57+s2+$0x0], $0xffff  }
0x102: {  	v58 =	vadd.s32 $0x5, v0;
	_ =	sdelay $0x3  }
0x103: {  	[tilespmem:s31+$0x8800] =	vst v1  }
0x104: {  	v1 =	vld.idx.msk [tilespmem:v58+s2+$0x0], $0xffff  }
0x105: {  	v59 =	vadd.s32 $0x6, v0;
	_ =	sdelay $0x3  }
0x106: {  	[tilespmem:s31+$0x9000] =	vst v1  }
0x107: {  	v1 =	vld.idx.msk [tilespmem:v59+s2+$0x0], $0xffff  }
0x108: {  	v60 =	vadd.s32 $0x7, v0;
	_ =	sdelay $0x3  }
0x109: {  	[tilespmem:s31+$0x9800] =	vst v1  }
0x10a: {  	v1 =	vld.idx.msk [tilespmem:v60+s2+$0x0], $0xffff  }
0x10b: {  	v61 =	vadd.s32 $0x8, v0;
	_ =	sdelay $0x3  }
0x10c: {  	[tilespmem:s31+$0xA000] =	vst v1  }
0x10d: {  	v1 =	vld.idx.msk [tilespmem:v61+s2+$0x0], $0xffff  }
0x10e: {  	v62 =	vadd.s32 $0x9, v0;
	_ =	sdelay $0x3  }
0x10f: {  	[tilespmem:s31+$0xA800] =	vst v1  }
0x110: {  	v1 =	vld.idx.msk [tilespmem:v62+s2+$0x0], $0xffff  }
0x111: {  	v63 =	vadd.s32 $0xA, v0;
	_ =	sdelay $0x3  }
0x112: {  	[tilespmem:s31+$0xB000] =	vst v1  }
0x113: {  	v1 =	vld.idx.msk [tilespmem:v63+s2+$0x0], $0xffff  }
0x114: {  	v0 =	vadd.s32 $0xB, v0;
	_ =	sdelay $0x3  }
0x115: {  	[tilespmem:s31+$0xB800] =	vst v1  }
0x116: {  	v0 =	vld.idx.msk [tilespmem:v0+s2+$0x0], $0xffff;
	_ =	sdelay $0x2  }
0x117: {  	s13 =	sadd.s32 $0x1, s13  }
0x118: {  	p0 =	sne.s32 s13, s9  }
.Ltmp2:
0x119: {  	[tilespmem:s31+$0xC000] =	vst v0;
	(pc) =	sbr.rel @p0 .LBB2_1-.Ltmp2, $4  }
0x11a: {  	[hbm4b:s8+s2] =	stream.linear.scatter [tilespmem:s12], [sflag:$0x1], $0x6000, $0x38;
	[tilespmem:$0xC800] =	vst v63  }
0x11b: {  	_ =	swait.ge [sflag:s10], $0x6000  }
0x11c: {  	[sflag:s10] =	ssyncset.done $0x0  }
0x11d: {  	[sflag:s10] =	ssyncadd.s32 $0xFFFFA000  }
0x11e: {  	_ =	sfence.sel $0x180000  }
0x11f: {  	[bflag:$0x0] =	sbarrier.arrive $0xFFFF  }
0x120: {  	p0 =	sne.s32 s1, $0x0;
	_ =	strace $0x90000047  }
0x121: {  	s0 =	sadd.s32 @!p0 $0x100000, s0;
	[bflag:$0x2] =	sbarrier.arrive $0xFFFF  }
0x122: {  	[sflag:s0] =	ssyncadd.tile.s32 @!p0 $0x1;
	_ =	shalt  }
.Lfunc_end2:
_tile_overlayer_lowered:
.L_overlay_start_2:
0x123: {  	(tag) =	ssettag $0x2  }
0x124: {  	s0 =	rddreg [dreg:$0x0];
	s2 =	stileid.u32  }
0x125: {  	s1 =	rddreg [dreg:$0x1];
	p0 =	sne.s32 s2, $0x0  }
0x126: {  	s3 =	rddreg [dreg:$0x2];
	[bflag:$0x3] =	sbarrier.arrive $0xFFFF;
	s2 =	simm.s32 @!p0 $0x1C01  }
0x127: {  	[timem:s3], [sflag:s2] =	dma.local @!p0 [hbm:s0], s1  }
0x128: {  	s0 =	simm.s32 @!p0 $0x1  }
0x129: {  	_ =	swait.ge @!p0 [sflag:s0], s1  }
0x12a: {  	s1 =	ssub.s32 @!p0 $0x0, s1;
	[sflag:s0] =	ssyncset.done @!p0 $0x0  }
0x12b: {  	[sflag:s0] =	ssyncadd.s32 @!p0 s1  }
0x12c: {  	[bflag:$0x3] =	sbarrier.arrive $0xFFFF  }
0x12d: {  	_ =	shalt  }

</sc_bundles>
